<compile_context>
chip_gen: v7x
topology: tpu7x:2x2x1
jax: 0.10.2.dev20260603
libtpu: 0.0.44.dev20260713+nightly
codegen_flags: <defaults>
</compile_context>

<pallas_src>
import functools

import jax
import jax.numpy as jnp
import numpy as np
from jax import lax
from jax.experimental import pallas as pl
from jax.experimental.pallas import tpu as pltpu
from jax.experimental.pallas import tpu_sc as plsc

B = 16384
D = 128
NC = 2
NS = 16
NW = NC * NS
BPW = B // NW
CH = 128
NCH = BPW // CH
NSLOT = 2

_PERM = np.empty(D, np.int32)
for _c in range(D // 32):
    for _t in range(16):
        _PERM[32 * _c + 2 * _t] = 32 * _c + _t
        _PERM[32 * _c + 2 * _t + 1] = 32 * _c + 16 + _t
_PERM2 = np.concatenate([_PERM, D + _PERM])

_mesh = plsc.VectorSubcoreMesh(core_axis_name="c", subcore_axis_name="s")


@functools.partial(
    pl.kernel,
    out_type=jax.ShapeDtypeStruct((B, 2 * D), jnp.bfloat16),
    mesh=_mesh,
    scratch_types=[
        pltpu.VMEM((2 * NCH, CH), jnp.int32),
        pltpu.VMEM((NSLOT * CH, D), jnp.float32),
        pltpu.VMEM((BPW, D), jnp.bfloat16),
        pltpu.VMEM((BPW, D), jnp.bfloat16),
        pltpu.SemaphoreType.DMA((NSLOT,)),
        pltpu.SemaphoreType.DMA((2,)),
    ],
)
def _sc_gather(uid_hbm, iid_hbm, ut_hbm, it_hbm, out_hbm,
               idx_v, rows_v, bf_u, bf_i, gsem, osem):
    wid = lax.axis_index("s") * NC + lax.axis_index("c")
    base = wid * BPW
    pltpu.sync_copy(uid_hbm.at[wid], idx_v.at[pl.ds(0, NCH)])
    pltpu.sync_copy(iid_hbm.at[wid], idx_v.at[pl.ds(NCH, NCH)])
    tables = (ut_hbm, it_hbm)
    bufs = (bf_u, bf_i)

    def gather(k):
        return pltpu.make_async_copy(
            tables[k // NCH].at[idx_v.at[k]],
            rows_v.at[pl.ds((k % NSLOT) * CH, CH)],
            gsem.at[k % NSLOT],
        )

    out_copies = []
    for k in range(NSLOT):
        gather(k).start()
    for k in range(2 * NCH):
        tbl, j = k // NCH, k % NCH
        gather(k).wait()
        slot_base = (k % NSLOT) * CH
        dst_base = j * CH
        bf_v = bufs[tbl]

        @functools.partial(plsc.parallel_loop, 0, CH * (D // 32),
                           unroll=8)
        def _convert(t):
            r = lax.shift_right_logical(t, 2)
            g = lax.bitwise_and(t, 3)
            a = rows_v[slot_base + r, pl.ds(g * 32, 16)]
            b = rows_v[slot_base + r, pl.ds(g * 32 + 16, 16)]
            bf_v[dst_base + r, pl.ds(g * 32, 32)] = plsc.pack(
                a, b, format=plsc.PackFormat.INTERLEAVED)

        if k + NSLOT < 2 * NCH:
            gather(k + NSLOT).start()
        cp = pltpu.make_async_copy(
            bf_v.at[pl.ds(dst_base, CH)],
            out_hbm.at[pl.ds(base + dst_base, CH), pl.ds(tbl * D, D)],
            osem.at[tbl],
        )
        cp.start()
        out_copies.append(cp)
    for cp in out_copies:
        cp.wait()


BM = 8192


def _mlp_body(x_ref, w1_ref, b1_ref, w2_ref, b2_ref, w3_ref, b3_ref, o_ref):
    h1 = jnp.maximum(
        jnp.dot(x_ref[...], w1_ref[...], preferred_element_type=jnp.float32)
        + b1_ref[...], 0.0)
    h2 = jnp.maximum(
        jnp.dot(h1, w2_ref[...], preferred_element_type=jnp.float32)
        + b2_ref[...], 0.0)
    o = jnp.maximum(
        jnp.dot(h2, w3_ref[...], preferred_element_type=jnp.float32)
        + b3_ref[...], 0.0)
    o_ref[...] = o


_mlp = pl.pallas_call(
    _mlp_body,
    grid=(B // BM,),
    in_specs=[
        pl.BlockSpec((BM, 2 * D), lambda i: (i, 0)),
        pl.BlockSpec((2 * D, 64), lambda i: (0, 0)),
        pl.BlockSpec((1, 64), lambda i: (0, 0)),
        pl.BlockSpec((64, 32), lambda i: (0, 0)),
        pl.BlockSpec((1, 32), lambda i: (0, 0)),
        pl.BlockSpec((32, 1), lambda i: (0, 0)),
        pl.BlockSpec((1, 1), lambda i: (0, 0)),
    ],
    out_specs=pl.BlockSpec((BM, 1), lambda i: (i, 0)),
    out_shape=jax.ShapeDtypeStruct((B, 1), jnp.float32),
)


def kernel(user_id, item_id, user_table, item_table, W1, b1, W2, b2, W3, b3):
    uid = user_id.astype(jnp.int32).reshape(NW, NCH, CH)
    iid = item_id.astype(jnp.int32).reshape(NW, NCH, CH)
    x = _sc_gather(uid, iid, user_table, item_table)
    out = _mlp(x, W1[_PERM2].astype(jnp.bfloat16), b1.reshape(1, 64),
               W2, b2.reshape(1, 32), W3, b3.reshape(1, 1))
    return out.reshape(-1)

# --- scband reference (transcript-rebuilt; emitter-appended) ---
"""Pipeline reference for scband-cf-model-25220047962759 (READ-ONLY COPY).

The authoritative reference and input builder live on the scoring server;
editing this copy changes nothing except your own understanding.
"""

import jax, jax.numpy as jnp
import numpy as np

N_USERS = 100000
N_ITEMS = 100000
EMBED = 128
BATCH = 16384


def setup_inputs(seed: int = 0) -> dict:
    key = jax.random.key(seed)
    k1, k2, k3, k4, k5, k6, k7, k8, k9, k10 = jax.random.split(key, 10)
    user_id = jax.random.randint(k1, (BATCH,), 0, N_USERS, dtype=jnp.int64 if jax.config.jax_enable_x64 else jnp.int32)
    item_id = jax.random.randint(k2, (BATCH,), 0, N_ITEMS, dtype=jnp.int64 if jax.config.jax_enable_x64 else jnp.int32)
    user_table = jax.random.normal(k3, (N_USERS, EMBED), dtype=jnp.float32) * 0.05
    item_table = jax.random.normal(k4, (N_ITEMS, EMBED), dtype=jnp.float32) * 0.05
    W1 = jax.random.normal(k5, (2 * EMBED, 64), dtype=jnp.float32) * (1.0 / np.sqrt(2 * EMBED))
    b1 = jax.random.normal(k6, (64,), dtype=jnp.float32) * 0.01
    W2 = jax.random.normal(k7, (64, 32), dtype=jnp.float32) * (1.0 / np.sqrt(64))
    b2 = jax.random.normal(k8, (32,), dtype=jnp.float32) * 0.01
    W3 = jax.random.normal(k9, (32, 1), dtype=jnp.float32) * (1.0 / np.sqrt(32))
    b3 = jax.random.normal(k10, (1,), dtype=jnp.float32) * 0.01
    return {"user_id": user_id, "item_id": item_id, "user_table": user_table,
            "item_table": item_table, "W1": W1, "b1": b1, "W2": W2, "b2": b2,
            "W3": W3, "b3": b3}


def reference(user_id, item_id, user_table, item_table, W1, b1, W2, b2, W3, b3):
    # Embedding lookups (gather)
    user_emb = jnp.take(user_table, user_id, axis=0)
    item_emb = jnp.take(item_table, item_id, axis=0)
    # output_layer == 'mlp'; dropout_rate == 0.0 -> dropout is identity
    all_emb = jnp.concatenate((user_emb, item_emb), axis=-1)
    h1 = jax.nn.relu(all_emb @ W1 + b1)
    h2 = jax.nn.relu(h1 @ W2 + b2)
    out = jax.nn.relu(h2 @ W3 + b3).reshape(-1)
    return out

if __name__ == "__main__":
    import jax
    _d = setup_inputs()
    print(jax.jit(kernel)(*tuple(_d.values())))

</pallas_src>

<mosaic_0001>
#map = affine_map<(d0, d1) -> (0, 0, 0)>
#map1 = affine_map<(d0, d1) -> (0, 0)>
module attributes {stable_mosaic.version = 14 : i64} {
  func.func @_sc_gather(%arg0: i32, %arg1: i32, %arg2: memref<32x4x128xi32, #tpu.memory_space<hbm>>, %arg3: memref<32x4x128xi32, #tpu.memory_space<hbm>>, %arg4: memref<100000x128xf32, #tpu.memory_space<hbm>>, %arg5: memref<100000x128xf32, #tpu.memory_space<hbm>>, %arg6: memref<16384x256xbf16, #tpu.memory_space<hbm>>, %arg7: memref<8x128xi32, #tpu.memory_space<vmem>>, %arg8: memref<256x128xf32, #tpu.memory_space<vmem>>, %arg9: memref<512x128xbf16, #tpu.memory_space<vmem>>, %arg10: memref<512x128xbf16, #tpu.memory_space<vmem>>, %arg11: memref<2x!tpu.dma_semaphore, #tpu.memory_space<semaphore_mem>>, %arg12: memref<2x!tpu.dma_semaphore, #tpu.memory_space<semaphore_mem>>) attributes {dimension_semantics = [#tpu.dimension_semantics<core_parallel>, #tpu.dimension_semantics<subcore_parallel>], iteration_bounds = array<i64: 2, 16>, scalar_prefetch = 0 : i64, scratch_operands = 6 : i64, tpu.core_type = #tpu.core_type<sc_vector_subcore>, window_params = [{transform_indices = #map}, {transform_indices = #map}, {transform_indices = #map1}, {transform_indices = #map1}, {transform_indices = #map1}]} {
    %mul3A = arith.constant 2 : i32
    %mul3A_0 = arith.muli %arg1, %mul3A : i32
    %add3A = arith.addi %mul3A_0, %arg0 : i32
    %mul3A_1 = arith.constant 512 : i32
    %mul3A_2 = arith.muli %add3A, %mul3A_1 : i32
    "tpu.region"() ({
      %run_scoped3A = tpu.sem_alloc : memref<!tpu.dma_semaphore, #tpu.memory_space<semaphore_mem>>
      %dma_start3A_433 = arith.constant 0 : i32
      %dma_start3A_434 = arith.constant 0 : i32
      %dma_start3A_435 = tpu.memref_slice %arg7[%dma_start3A_433, %dma_start3A_434] : memref<8x128xi32, #tpu.memory_space<vmem>> -> memref<4x128xi32, #tpu.memory_space<vmem>>
      %dma_start3A_436 = arith.constant 0 : i32
      %dma_start3A_437 = arith.constant 0 : i32
      %dma_start3A_438 = tpu.memref_slice %arg2[%add3A, %dma_start3A_436, %dma_start3A_437] : memref<32x4x128xi32, #tpu.memory_space<hbm>> -> memref<1x4x128xi32, #tpu.memory_space<hbm>>
      %dma_start3A_439 = tpu.memref_squeeze %dma_start3A_438 : memref<1x4x128xi32, #tpu.memory_space<hbm>> -> memref<4x128xi32, #tpu.memory_space<hbm>>
      %dma_start3A_440 = arith.constant 0 : i32
      %dma_start3A_441 = arith.constant 0 : i32
      %dma_start3A_442 = tpu.memref_slice %arg7[%dma_start3A_440, %dma_start3A_441] : memref<8x128xi32, #tpu.memory_space<vmem>> -> memref<4x128xi32, #tpu.memory_space<vmem>>
      %dma_start3A_443 = arith.constant 0 : i32
      %dma_start3A_444 = arith.constant 0 : i32
      %dma_start3A_445 = tpu.memref_slice %arg2[%add3A, %dma_start3A_443, %dma_start3A_444] : memref<32x4x128xi32, #tpu.memory_space<hbm>> -> memref<1x4x128xi32, #tpu.memory_space<hbm>>
      %dma_start3A_446 = tpu.memref_squeeze %dma_start3A_445 : memref<1x4x128xi32, #tpu.memory_space<hbm>> -> memref<4x128xi32, #tpu.memory_space<hbm>>
      tpu.enqueue_dma source(%dma_start3A_446 : memref<4x128xi32, #tpu.memory_space<hbm>>) target(%dma_start3A_442 : memref<4x128xi32, #tpu.memory_space<vmem>>) target_semaphore(%run_scoped3A : memref<!tpu.dma_semaphore, #tpu.memory_space<semaphore_mem>>)
      %dma_wait3A_447 = arith.constant 0 : i32
      %dma_wait3A_448 = arith.constant 0 : i32
      %dma_wait3A_449 = tpu.memref_slice %arg7[%dma_wait3A_447, %dma_wait3A_448] : memref<8x128xi32, #tpu.memory_space<vmem>> -> memref<4x128xi32, #tpu.memory_space<vmem>>
      %dma_wait3A_450 = arith.constant 0 : i32
      %dma_wait3A_451 = arith.constant 0 : i32
      %dma_wait3A_452 = tpu.memref_slice %arg2[%add3A, %dma_wait3A_450, %dma_wait3A_451] : memref<32x4x128xi32, #tpu.memory_space<hbm>> -> memref<1x4x128xi32, #tpu.memory_space<hbm>>
      %dma_wait3A_453 = tpu.memref_squeeze %dma_wait3A_452 : memref<1x4x128xi32, #tpu.memory_space<hbm>> -> memref<4x128xi32, #tpu.memory_space<hbm>>
      %dma_wait3A_454 = arith.constant 0 : i32
      %dma_wait3A_455 = arith.constant 0 : i32
      %dma_wait3A_456 = tpu.memref_slice %arg7[%dma_wait3A_454, %dma_wait3A_455] : memref<8x128xi32, #tpu.memory_space<vmem>> -> memref<4x128xi32, #tpu.memory_space<vmem>>
      %dma_wait3A_457 = arith.constant 0 : i32
      %dma_wait3A_458 = arith.constant 0 : i32
      %dma_wait3A_459 = tpu.memref_slice %arg2[%add3A, %dma_wait3A_457, %dma_wait3A_458] : memref<32x4x128xi32, #tpu.memory_space<hbm>> -> memref<1x4x128xi32, #tpu.memory_space<hbm>>
      %dma_wait3A_460 = tpu.memref_squeeze %dma_wait3A_459 : memref<1x4x128xi32, #tpu.memory_space<hbm>> -> memref<4x128xi32, #tpu.memory_space<hbm>>
      tpu.wait_dma2 semaphore(%run_scoped3A : memref<!tpu.dma_semaphore, #tpu.memory_space<semaphore_mem>>) src(%dma_wait3A_460 : memref<4x128xi32, #tpu.memory_space<hbm>>) dst(%dma_wait3A_456 : memref<4x128xi32, #tpu.memory_space<vmem>>)
      tpu.yield
    }) : () -> ()
    "tpu.region"() ({
      %run_scoped3A = tpu.sem_alloc : memref<!tpu.dma_semaphore, #tpu.memory_space<semaphore_mem>>
      %dma_start3A_433 = arith.constant 4 : i32
      %dma_start3A_434 = arith.constant 0 : i32
      %dma_start3A_435 = tpu.memref_slice %arg7[%dma_start3A_433, %dma_start3A_434] : memref<8x128xi32, #tpu.memory_space<vmem>> -> memref<4x128xi32, #tpu.memory_space<vmem>>
      %dma_start3A_436 = arith.constant 0 : i32
      %dma_start3A_437 = arith.constant 0 : i32
      %dma_start3A_438 = tpu.memref_slice %arg3[%add3A, %dma_start3A_436, %dma_start3A_437] : memref<32x4x128xi32, #tpu.memory_space<hbm>> -> memref<1x4x128xi32, #tpu.memory_space<hbm>>
      %dma_start3A_439 = tpu.memref_squeeze %dma_start3A_438 : memref<1x4x128xi32, #tpu.memory_space<hbm>> -> memref<4x128xi32, #tpu.memory_space<hbm>>
      %dma_start3A_440 = arith.constant 4 : i32
      %dma_start3A_441 = arith.constant 0 : i32
      %dma_start3A_442 = tpu.memref_slice %arg7[%dma_start3A_440, %dma_start3A_441] : memref<8x128xi32, #tpu.memory_space<vmem>> -> memref<4x128xi32, #tpu.memory_space<vmem>>
      %dma_start3A_443 = arith.constant 0 : i32
      %dma_start3A_444 = arith.constant 0 : i32
      %dma_start3A_445 = tpu.memref_slice %arg3[%add3A, %dma_start3A_443, %dma_start3A_444] : memref<32x4x128xi32, #tpu.memory_space<hbm>> -> memref<1x4x128xi32, #tpu.memory_space<hbm>>
      %dma_start3A_446 = tpu.memref_squeeze %dma_start3A_445 : memref<1x4x128xi32, #tpu.memory_space<hbm>> -> memref<4x128xi32, #tpu.memory_space<hbm>>
      tpu.enqueue_dma source(%dma_start3A_446 : memref<4x128xi32, #tpu.memory_space<hbm>>) target(%dma_start3A_442 : memref<4x128xi32, #tpu.memory_space<vmem>>) target_semaphore(%run_scoped3A : memref<!tpu.dma_semaphore, #tpu.memory_space<semaphore_mem>>)
      %dma_wait3A_447 = arith.constant 4 : i32
      %dma_wait3A_448 = arith.constant 0 : i32
      %dma_wait3A_449 = tpu.memref_slice %arg7[%dma_wait3A_447, %dma_wait3A_448] : memref<8x128xi32, #tpu.memory_space<vmem>> -> memref<4x128xi32, #tpu.memory_space<vmem>>
      %dma_wait3A_450 = arith.constant 0 : i32
      %dma_wait3A_451 = arith.constant 0 : i32
      %dma_wait3A_452 = tpu.memref_slice %arg3[%add3A, %dma_wait3A_450, %dma_wait3A_451] : memref<32x4x128xi32, #tpu.memory_space<hbm>> -> memref<1x4x128xi32, #tpu.memory_space<hbm>>
      %dma_wait3A_453 = tpu.memref_squeeze %dma_wait3A_452 : memref<1x4x128xi32, #tpu.memory_space<hbm>> -> memref<4x128xi32, #tpu.memory_space<hbm>>
      %dma_wait3A_454 = arith.constant 4 : i32
      %dma_wait3A_455 = arith.constant 0 : i32
      %dma_wait3A_456 = tpu.memref_slice %arg7[%dma_wait3A_454, %dma_wait3A_455] : memref<8x128xi32, #tpu.memory_space<vmem>> -> memref<4x128xi32, #tpu.memory_space<vmem>>
      %dma_wait3A_457 = arith.constant 0 : i32
      %dma_wait3A_458 = arith.constant 0 : i32
      %dma_wait3A_459 = tpu.memref_slice %arg3[%add3A, %dma_wait3A_457, %dma_wait3A_458] : memref<32x4x128xi32, #tpu.memory_space<hbm>> -> memref<1x4x128xi32, #tpu.memory_space<hbm>>
      %dma_wait3A_460 = tpu.memref_squeeze %dma_wait3A_459 : memref<1x4x128xi32, #tpu.memory_space<hbm>> -> memref<4x128xi32, #tpu.memory_space<hbm>>
      tpu.wait_dma2 semaphore(%run_scoped3A : memref<!tpu.dma_semaphore, #tpu.memory_space<semaphore_mem>>) src(%dma_wait3A_460 : memref<4x128xi32, #tpu.memory_space<hbm>>) dst(%dma_wait3A_456 : memref<4x128xi32, #tpu.memory_space<vmem>>)
      tpu.yield
    }) : () -> ()
    %dma_start3A = arith.constant 0 : i32
    %dma_start3A_3 = arith.constant 0 : i32
    %dma_start3A_4 = arith.constant 0 : i32
    %dma_start3A_5 = arith.constant 0 : i32
    %dma_start3A_6 = tpu.memref_slice %arg8[%dma_start3A_4, %dma_start3A_5] : memref<256x128xf32, #tpu.memory_space<vmem>> -> memref<128x128xf32, #tpu.memory_space<vmem>>
    %dma_start3A_7 = arith.constant 0 : i32
    %dma_start3A_8 = tpu.memref_slice %arg7[%dma_start3A, %dma_start3A_7] : memref<8x128xi32, #tpu.memory_space<vmem>> -> memref<1x128xi32, #tpu.memory_space<vmem>>
    %dma_start3A_9 = tpu.memref_squeeze %dma_start3A_8 : memref<1x128xi32, #tpu.memory_space<vmem>> -> memref<128xi32, #tpu.memory_space<vmem>>
    %dma_start3A_10 = arith.constant 0 : i32
    %dma_start3A_11 = arith.constant 0 : i32
    %dma_start3A_12 = tpu.memref_slice %arg4[%dma_start3A_10, %dma_start3A_11] : memref<100000x128xf32, #tpu.memory_space<hbm>> -> memref<100000x128xf32, #tpu.memory_space<hbm>>
    %dma_start3A_13 = tpu.memref_slice %arg11[%dma_start3A_3] : memref<2x!tpu.dma_semaphore, #tpu.memory_space<semaphore_mem>> -> memref<1x!tpu.dma_semaphore, #tpu.memory_space<semaphore_mem>>
    %dma_start3A_14 = tpu.memref_squeeze %dma_start3A_13 : memref<1x!tpu.dma_semaphore, #tpu.memory_space<semaphore_mem>> -> memref<!tpu.dma_semaphore, #tpu.memory_space<semaphore_mem>>
    tpu.enqueue_indirect_dma source(%dma_start3A_12 : memref<100000x128xf32, #tpu.memory_space<hbm>>) target(%dma_start3A_6 : memref<128x128xf32, #tpu.memory_space<vmem>>) offsets(%dma_start3A_9 : memref<128xi32, #tpu.memory_space<vmem>>) semaphore(%dma_start3A_14 : memref<!tpu.dma_semaphore, #tpu.memory_space<semaphore_mem>>)
    %dma_start3A_15 = arith.constant 1 : i32
    %dma_start3A_16 = arith.constant 1 : i32
    %dma_start3A_17 = arith.constant 128 : i32
    %dma_start3A_18 = arith.constant 0 : i32
    %dma_start3A_19 = tpu.memref_slice %arg8[%dma_start3A_17, %dma_start3A_18] : memref<256x128xf32, #tpu.memory_space<vmem>> -> memref<128x128xf32, #tpu.memory_space<vmem>>
    %dma_start3A_20 = arith.constant 0 : i32
    %dma_start3A_21 = tpu.memref_slice %arg7[%dma_start3A_15, %dma_start3A_20] : memref<8x128xi32, #tpu.memory_space<vmem>> -> memref<1x128xi32, #tpu.memory_space<vmem>>
    %dma_start3A_22 = tpu.memref_squeeze %dma_start3A_21 : memref<1x128xi32, #tpu.memory_space<vmem>> -> memref<128xi32, #tpu.memory_space<vmem>>
    %dma_start3A_23 = arith.constant 0 : i32
    %dma_start3A_24 = arith.constant 0 : i32
    %dma_start3A_25 = tpu.memref_slice %arg4[%dma_start3A_23, %dma_start3A_24] : memref<100000x128xf32, #tpu.memory_space<hbm>> -> memref<100000x128xf32, #tpu.memory_space<hbm>>
    %dma_start3A_26 = tpu.memref_slice %arg11[%dma_start3A_16] : memref<2x!tpu.dma_semaphore, #tpu.memory_space<semaphore_mem>> -> memref<1x!tpu.dma_semaphore, #tpu.memory_space<semaphore_mem>>
    %dma_start3A_27 = tpu.memref_squeeze %dma_start3A_26 : memref<1x!tpu.dma_semaphore, #tpu.memory_space<semaphore_mem>> -> memref<!tpu.dma_semaphore, #tpu.memory_space<semaphore_mem>>
    tpu.enqueue_indirect_dma source(%dma_start3A_25 : memref<100000x128xf32, #tpu.memory_space<hbm>>) target(%dma_start3A_19 : memref<128x128xf32, #tpu.memory_space<vmem>>) offsets(%dma_start3A_22 : memref<128xi32, #tpu.memory_space<vmem>>) semaphore(%dma_start3A_27 : memref<!tpu.dma_semaphore, #tpu.memory_space<semaphore_mem>>)
    %dma_wait3A = arith.constant 0 : i32
    %dma_wait3A_28 = arith.constant 0 : i32
    %dma_wait3A_29 = arith.constant 0 : i32
    %dma_wait3A_30 = arith.constant 0 : i32
    %dma_wait3A_31 = tpu.memref_slice %arg8[%dma_wait3A_29, %dma_wait3A_30] : memref<256x128xf32, #tpu.memory_space<vmem>> -> memref<128x128xf32, #tpu.memory_space<vmem>>
    %dma_wait3A_32 = arith.constant 0 : i32
    %dma_wait3A_33 = tpu.memref_slice %arg7[%dma_wait3A, %dma_wait3A_32] : memref<8x128xi32, #tpu.memory_space<vmem>> -> memref<1x128xi32, #tpu.memory_space<vmem>>
    %dma_wait3A_34 = tpu.memref_squeeze %dma_wait3A_33 : memref<1x128xi32, #tpu.memory_space<vmem>> -> memref<128xi32, #tpu.memory_space<vmem>>
    %dma_wait3A_35 = arith.constant 0 : i32
    %dma_wait3A_36 = arith.constant 0 : i32
    %dma_wait3A_37 = tpu.memref_slice %arg4[%dma_wait3A_35, %dma_wait3A_36] : memref<100000x128xf32, #tpu.memory_space<hbm>> -> memref<100000x128xf32, #tpu.memory_space<hbm>>
    %dma_wait3A_38 = tpu.memref_slice %arg11[%dma_wait3A_28] : memref<2x!tpu.dma_semaphore, #tpu.memory_space<semaphore_mem>> -> memref<1x!tpu.dma_semaphore, #tpu.memory_space<semaphore_mem>>
    %dma_wait3A_39 = tpu.memref_squeeze %dma_wait3A_38 : memref<1x!tpu.dma_semaphore, #tpu.memory_space<semaphore_mem>> -> memref<!tpu.dma_semaphore, #tpu.memory_space<semaphore_mem>>
    tpu.wait_indirect_dma semaphore(%dma_wait3A_39 : memref<!tpu.dma_semaphore, #tpu.memory_space<semaphore_mem>>) src(%dma_wait3A_37 : memref<100000x128xf32, #tpu.memory_space<hbm>>) dst(%dma_wait3A_31 : memref<128x128xf32, #tpu.memory_space<vmem>>)
    %dma_start3A_40 = arith.constant 2 : i32
    %dma_start3A_41 = arith.constant 0 : i32
    %dma_start3A_42 = arith.constant 0 : i32
    %dma_start3A_43 = arith.constant 0 : i32
    %dma_start3A_44 = tpu.memref_slice %arg8[%dma_start3A_42, %dma_start3A_43] : memref<256x128xf32, #tpu.memory_space<vmem>> -> memref<128x128xf32, #tpu.memory_space<vmem>>
    %dma_start3A_45 = arith.constant 0 : i32
    %dma_start3A_46 = tpu.memref_slice %arg7[%dma_start3A_40, %dma_start3A_45] : memref<8x128xi32, #tpu.memory_space<vmem>> -> memref<1x128xi32, #tpu.memory_space<vmem>>
    %dma_start3A_47 = tpu.memref_squeeze %dma_start3A_46 : memref<1x128xi32, #tpu.memory_space<vmem>> -> memref<128xi32, #tpu.memory_space<vmem>>
    %dma_start3A_48 = arith.constant 0 : i32
    %dma_start3A_49 = arith.constant 0 : i32
    %dma_start3A_50 = tpu.memref_slice %arg4[%dma_start3A_48, %dma_start3A_49] : memref<100000x128xf32, #tpu.memory_space<hbm>> -> memref<100000x128xf32, #tpu.memory_space<hbm>>
    %dma_start3A_51 = tpu.memref_slice %arg11[%dma_start3A_41] : memref<2x!tpu.dma_semaphore, #tpu.memory_space<semaphore_mem>> -> memref<1x!tpu.dma_semaphore, #tpu.memory_space<semaphore_mem>>
    %dma_start3A_52 = tpu.memref_squeeze %dma_start3A_51 : memref<1x!tpu.dma_semaphore, #tpu.memory_space<semaphore_mem>> -> memref<!tpu.dma_semaphore, #tpu.memory_space<semaphore_mem>>
    tpu.enqueue_indirect_dma source(%dma_start3A_50 : memref<100000x128xf32, #tpu.memory_space<hbm>>) target(%dma_start3A_44 : memref<128x128xf32, #tpu.memory_space<vmem>>) offsets(%dma_start3A_47 : memref<128xi32, #tpu.memory_space<vmem>>) semaphore(%dma_start3A_52 : memref<!tpu.dma_semaphore, #tpu.memory_space<semaphore_mem>>)
    %add3A_53 = arith.constant 0 : i32
    %add3A_54 = arith.addi %mul3A_2, %add3A_53 : i32
    %dma_start3A_55 = arith.constant 0 : i32
    %dma_start3A_56 = arith.constant 0 : i32
    %dma_start3A_57 = arith.constant 0 : i32
    %dma_start3A_58 = tpu.memref_slice %arg9[%dma_start3A_56, %dma_start3A_57] : memref<512x128xbf16, #tpu.memory_space<vmem>> -> memref<128x128xbf16, #tpu.memory_space<vmem>>
    %dma_start3A_59 = arith.constant 0 : i32
    %dma_start3A_60 = tpu.memref_slice %arg6[%add3A_54, %dma_start3A_59] : memref<16384x256xbf16, #tpu.memory_space<hbm>> -> memref<128x128xbf16, #tpu.memory_space<hbm>>
    %dma_start3A_61 = tpu.memref_slice %arg12[%dma_start3A_55] : memref<2x!tpu.dma_semaphore, #tpu.memory_space<semaphore_mem>> -> memref<1x!tpu.dma_semaphore, #tpu.memory_space<semaphore_mem>>
    %dma_start3A_62 = tpu.memref_squeeze %dma_start3A_61 : memref<1x!tpu.dma_semaphore, #tpu.memory_space<semaphore_mem>> -> memref<!tpu.dma_semaphore, #tpu.memory_space<semaphore_mem>>
    %dma_start3A_63 = arith.constant 0 : i32
    %dma_start3A_64 = tpu.memref_slice %arg6[%add3A_54, %dma_start3A_63] : memref<16384x256xbf16, #tpu.memory_space<hbm>> -> memref<128x128xbf16, #tpu.memory_space<hbm>>
    %dma_start3A_65 = arith.constant 0 : i32
    %dma_start3A_66 = arith.constant 0 : i32
    %dma_start3A_67 = tpu.memref_slice %arg9[%dma_start3A_65, %dma_start3A_66] : memref<512x128xbf16, #tpu.memory_space<vmem>> -> memref<128x128xbf16, #tpu.memory_space<vmem>>
    tpu.enqueue_dma source(%dma_start3A_67 : memref<128x128xbf16, #tpu.memory_space<vmem>>) target(%dma_start3A_64 : memref<128x128xbf16, #tpu.memory_space<hbm>>) target_semaphore(%dma_start3A_62 : memref<!tpu.dma_semaphore, #tpu.memory_space<semaphore_mem>>)
    %dma_wait3A_68 = arith.constant 1 : i32
    %dma_wait3A_69 = arith.constant 1 : i32
    %dma_wait3A_70 = arith.constant 128 : i32
    %dma_wait3A_71 = arith.constant 0 : i32
    %dma_wait3A_72 = tpu.memref_slice %arg8[%dma_wait3A_70, %dma_wait3A_71] : memref<256x128xf32, #tpu.memory_space<vmem>> -> memref<128x128xf32, #tpu.memory_space<vmem>>
    %dma_wait3A_73 = arith.constant 0 : i32
    %dma_wait3A_74 = tpu.memref_slice %arg7[%dma_wait3A_68, %dma_wait3A_73] : memref<8x128xi32, #tpu.memory_space<vmem>> -> memref<1x128xi32, #tpu.memory_space<vmem>>
    %dma_wait3A_75 = tpu.memref_squeeze %dma_wait3A_74 : memref<1x128xi32, #tpu.memory_space<vmem>> -> memref<128xi32, #tpu.memory_space<vmem>>
    %dma_wait3A_76 = arith.constant 0 : i32
    %dma_wait3A_77 = arith.constant 0 : i32
    %dma_wait3A_78 = tpu.memref_slice %arg4[%dma_wait3A_76, %dma_wait3A_77] : memref<100000x128xf32, #tpu.memory_space<hbm>> -> memref<100000x128xf32, #tpu.memory_space<hbm>>
    %dma_wait3A_79 = tpu.memref_slice %arg11[%dma_wait3A_69] : memref<2x!tpu.dma_semaphore, #tpu.memory_space<semaphore_mem>> -> memref<1x!tpu.dma_semaphore, #tpu.memory_space<semaphore_mem>>
    %dma_wait3A_80 = tpu.memref_squeeze %dma_wait3A_79 : memref<1x!tpu.dma_semaphore, #tpu.memory_space<semaphore_mem>> -> memref<!tpu.dma_semaphore, #tpu.memory_space<semaphore_mem>>
    tpu.wait_indirect_dma semaphore(%dma_wait3A_80 : memref<!tpu.dma_semaphore, #tpu.memory_space<semaphore_mem>>) src(%dma_wait3A_78 : memref<100000x128xf32, #tpu.memory_space<hbm>>) dst(%dma_wait3A_72 : memref<128x128xf32, #tpu.memory_space<vmem>>)
    %dma_start3A_81 = arith.constant 3 : i32
    %dma_start3A_82 = arith.constant 1 : i32
    %dma_start3A_83 = arith.constant 128 : i32
    %dma_start3A_84 = arith.constant 0 : i32
    %dma_start3A_85 = tpu.memref_slice %arg8[%dma_start3A_83, %dma_start3A_84] : memref<256x128xf32, #tpu.memory_space<vmem>> -> memref<128x128xf32, #tpu.memory_space<vmem>>
    %dma_start3A_86 = arith.constant 0 : i32
    %dma_start3A_87 = tpu.memref_slice %arg7[%dma_start3A_81, %dma_start3A_86] : memref<8x128xi32, #tpu.memory_space<vmem>> -> memref<1x128xi32, #tpu.memory_space<vmem>>
    %dma_start3A_88 = tpu.memref_squeeze %dma_start3A_87 : memref<1x128xi32, #tpu.memory_space<vmem>> -> memref<128xi32, #tpu.memory_space<vmem>>
    %dma_start3A_89 = arith.constant 0 : i32
    %dma_start3A_90 = arith.constant 0 : i32
    %dma_start3A_91 = tpu.memref_slice %arg4[%dma_start3A_89, %dma_start3A_90] : memref<100000x128xf32, #tpu.memory_space<hbm>> -> memref<100000x128xf32, #tpu.memory_space<hbm>>
    %dma_start3A_92 = tpu.memref_slice %arg11[%dma_start3A_82] : memref<2x!tpu.dma_semaphore, #tpu.memory_space<semaphore_mem>> -> memref<1x!tpu.dma_semaphore, #tpu.memory_space<semaphore_mem>>
    %dma_start3A_93 = tpu.memref_squeeze %dma_start3A_92 : memref<1x!tpu.dma_semaphore, #tpu.memory_space<semaphore_mem>> -> memref<!tpu.dma_semaphore, #tpu.memory_space<semaphore_mem>>
    tpu.enqueue_indirect_dma source(%dma_start3A_91 : memref<100000x128xf32, #tpu.memory_space<hbm>>) target(%dma_start3A_85 : memref<128x128xf32, #tpu.memory_space<vmem>>) offsets(%dma_start3A_88 : memref<128xi32, #tpu.memory_space<vmem>>) semaphore(%dma_start3A_93 : memref<!tpu.dma_semaphore, #tpu.memory_space<semaphore_mem>>)
    %add3A_94 = arith.constant 128 : i32
    %add3A_95 = arith.addi %mul3A_2, %add3A_94 : i32
    %dma_start3A_96 = arith.constant 0 : i32
    %dma_start3A_97 = arith.constant 128 : i32
    %dma_start3A_98 = arith.constant 0 : i32
    %dma_start3A_99 = tpu.memref_slice %arg9[%dma_start3A_97, %dma_start3A_98] : memref<512x128xbf16, #tpu.memory_space<vmem>> -> memref<128x128xbf16, #tpu.memory_space<vmem>>
    %dma_start3A_100 = arith.constant 0 : i32
    %dma_start3A_101 = tpu.memref_slice %arg6[%add3A_95, %dma_start3A_100] : memref<16384x256xbf16, #tpu.memory_space<hbm>> -> memref<128x128xbf16, #tpu.memory_space<hbm>>
    %dma_start3A_102 = tpu.memref_slice %arg12[%dma_start3A_96] : memref<2x!tpu.dma_semaphore, #tpu.memory_space<semaphore_mem>> -> memref<1x!tpu.dma_semaphore, #tpu.memory_space<semaphore_mem>>
    %dma_start3A_103 = tpu.memref_squeeze %dma_start3A_102 : memref<1x!tpu.dma_semaphore, #tpu.memory_space<semaphore_mem>> -> memref<!tpu.dma_semaphore, #tpu.memory_space<semaphore_mem>>
    %dma_start3A_104 = arith.constant 0 : i32
    %dma_start3A_105 = tpu.memref_slice %arg6[%add3A_95, %dma_start3A_104] : memref<16384x256xbf16, #tpu.memory_space<hbm>> -> memref<128x128xbf16, #tpu.memory_space<hbm>>
    %dma_start3A_106 = arith.constant 128 : i32
    %dma_start3A_107 = arith.constant 0 : i32
    %dma_start3A_108 = tpu.memref_slice %arg9[%dma_start3A_106, %dma_start3A_107] : memref<512x128xbf16, #tpu.memory_space<vmem>> -> memref<128x128xbf16, #tpu.memory_space<vmem>>
    tpu.enqueue_dma source(%dma_start3A_108 : memref<128x128xbf16, #tpu.memory_space<vmem>>) target(%dma_start3A_105 : memref<128x128xbf16, #tpu.memory_space<hbm>>) target_semaphore(%dma_start3A_103 : memref<!tpu.dma_semaphore, #tpu.memory_space<semaphore_mem>>)
    %dma_wait3A_109 = arith.constant 2 : i32
    %dma_wait3A_110 = arith.constant 0 : i32
    %dma_wait3A_111 = arith.constant 0 : i32
    %dma_wait3A_112 = arith.constant 0 : i32
    %dma_wait3A_113 = tpu.memref_slice %arg8[%dma_wait3A_111, %dma_wait3A_112] : memref<256x128xf32, #tpu.memory_space<vmem>> -> memref<128x128xf32, #tpu.memory_space<vmem>>
    %dma_wait3A_114 = arith.constant 0 : i32
    %dma_wait3A_115 = tpu.memref_slice %arg7[%dma_wait3A_109, %dma_wait3A_114] : memref<8x128xi32, #tpu.memory_space<vmem>> -> memref<1x128xi32, #tpu.memory_space<vmem>>
    %dma_wait3A_116 = tpu.memref_squeeze %dma_wait3A_115 : memref<1x128xi32, #tpu.memory_space<vmem>> -> memref<128xi32, #tpu.memory_space<vmem>>
    %dma_wait3A_117 = arith.constant 0 : i32
    %dma_wait3A_118 = arith.constant 0 : i32
    %dma_wait3A_119 = tpu.memref_slice %arg4[%dma_wait3A_117, %dma_wait3A_118] : memref<100000x128xf32, #tpu.memory_space<hbm>> -> memref<100000x128xf32, #tpu.memory_space<hbm>>
    %dma_wait3A_120 = tpu.memref_slice %arg11[%dma_wait3A_110] : memref<2x!tpu.dma_semaphore, #tpu.memory_space<semaphore_mem>> -> memref<1x!tpu.dma_semaphore, #tpu.memory_space<semaphore_mem>>
    %dma_wait3A_121 = tpu.memref_squeeze %dma_wait3A_120 : memref<1x!tpu.dma_semaphore, #tpu.memory_space<semaphore_mem>> -> memref<!tpu.dma_semaphore, #tpu.memory_space<semaphore_mem>>
    tpu.wait_indirect_dma semaphore(%dma_wait3A_121 : memref<!tpu.dma_semaphore, #tpu.memory_space<semaphore_mem>>) src(%dma_wait3A_119 : memref<100000x128xf32, #tpu.memory_space<hbm>>) dst(%dma_wait3A_113 : memref<128x128xf32, #tpu.memory_space<vmem>>)
    %dma_start3A_122 = arith.constant 4 : i32
    %dma_start3A_123 = arith.constant 0 : i32
    %dma_start3A_124 = arith.constant 0 : i32
    %dma_start3A_125 = arith.constant 0 : i32
    %dma_start3A_126 = tpu.memref_slice %arg8[%dma_start3A_124, %dma_start3A_125] : memref<256x128xf32, #tpu.memory_space<vmem>> -> memref<128x128xf32, #tpu.memory_space<vmem>>
    %dma_start3A_127 = arith.constant 0 : i32
    %dma_start3A_128 = tpu.memref_slice %arg7[%dma_start3A_122, %dma_start3A_127] : memref<8x128xi32, #tpu.memory_space<vmem>> -> memref<1x128xi32, #tpu.memory_space<vmem>>
    %dma_start3A_129 = tpu.memref_squeeze %dma_start3A_128 : memref<1x128xi32, #tpu.memory_space<vmem>> -> memref<128xi32, #tpu.memory_space<vmem>>
    %dma_start3A_130 = arith.constant 0 : i32
    %dma_start3A_131 = arith.constant 0 : i32
    %dma_start3A_132 = tpu.memref_slice %arg5[%dma_start3A_130, %dma_start3A_131] : memref<100000x128xf32, #tpu.memory_space<hbm>> -> memref<100000x128xf32, #tpu.memory_space<hbm>>
    %dma_start3A_133 = tpu.memref_slice %arg11[%dma_start3A_123] : memref<2x!tpu.dma_semaphore, #tpu.memory_space<semaphore_mem>> -> memref<1x!tpu.dma_semaphore, #tpu.memory_space<semaphore_mem>>
    %dma_start3A_134 = tpu.memref_squeeze %dma_start3A_133 : memref<1x!tpu.dma_semaphore, #tpu.memory_space<semaphore_mem>> -> memref<!tpu.dma_semaphore, #tpu.memory_space<semaphore_mem>>
    tpu.enqueue_indirect_dma source(%dma_start3A_132 : memref<100000x128xf32, #tpu.memory_space<hbm>>) target(%dma_start3A_126 : memref<128x128xf32, #tpu.memory_space<vmem>>) offsets(%dma_start3A_129 : memref<128xi32, #tpu.memory_space<vmem>>) semaphore(%dma_start3A_134 : memref<!tpu.dma_semaphore, #tpu.memory_space<semaphore_mem>>)
    %add3A_135 = arith.constant 256 : i32
    %add3A_136 = arith.addi %mul3A_2, %add3A_135 : i32
    %dma_start3A_137 = arith.constant 0 : i32
    %dma_start3A_138 = arith.constant 256 : i32
    %dma_start3A_139 = arith.constant 0 : i32
    %dma_start3A_140 = tpu.memref_slice %arg9[%dma_start3A_138, %dma_start3A_139] : memref<512x128xbf16, #tpu.memory_space<vmem>> -> memref<128x128xbf16, #tpu.memory_space<vmem>>
    %dma_start3A_141 = arith.constant 0 : i32
    %dma_start3A_142 = tpu.memref_slice %arg6[%add3A_136, %dma_start3A_141] : memref<16384x256xbf16, #tpu.memory_space<hbm>> -> memref<128x128xbf16, #tpu.memory_space<hbm>>
    %dma_start3A_143 = tpu.memref_slice %arg12[%dma_start3A_137] : memref<2x!tpu.dma_semaphore, #tpu.memory_space<semaphore_mem>> -> memref<1x!tpu.dma_semaphore, #tpu.memory_space<semaphore_mem>>
    %dma_start3A_144 = tpu.memref_squeeze %dma_start3A_143 : memref<1x!tpu.dma_semaphore, #tpu.memory_space<semaphore_mem>> -> memref<!tpu.dma_semaphore, #tpu.memory_space<semaphore_mem>>
    %dma_start3A_145 = arith.constant 0 : i32
    %dma_start3A_146 = tpu.memref_slice %arg6[%add3A_136, %dma_start3A_145] : memref<16384x256xbf16, #tpu.memory_space<hbm>> -> memref<128x128xbf16, #tpu.memory_space<hbm>>
    %dma_start3A_147 = arith.constant 256 : i32
    %dma_start3A_148 = arith.constant 0 : i32
    %dma_start3A_149 = tpu.memref_slice %arg9[%dma_start3A_147, %dma_start3A_148] : memref<512x128xbf16, #tpu.memory_space<vmem>> -> memref<128x128xbf16, #tpu.memory_space<vmem>>
    tpu.enqueue_dma source(%dma_start3A_149 : memref<128x128xbf16, #tpu.memory_space<vmem>>) target(%dma_start3A_146 : memref<128x128xbf16, #tpu.memory_space<hbm>>) target_semaphore(%dma_start3A_144 : memref<!tpu.dma_semaphore, #tpu.memory_space<semaphore_mem>>)
    %dma_wait3A_150 = arith.constant 3 : i32
    %dma_wait3A_151 = arith.constant 1 : i32
    %dma_wait3A_152 = arith.constant 128 : i32
    %dma_wait3A_153 = arith.constant 0 : i32
    %dma_wait3A_154 = tpu.memref_slice %arg8[%dma_wait3A_152, %dma_wait3A_153] : memref<256x128xf32, #tpu.memory_space<vmem>> -> memref<128x128xf32, #tpu.memory_space<vmem>>
    %dma_wait3A_155 = arith.constant 0 : i32
    %dma_wait3A_156 = tpu.memref_slice %arg7[%dma_wait3A_150, %dma_wait3A_155] : memref<8x128xi32, #tpu.memory_space<vmem>> -> memref<1x128xi32, #tpu.memory_space<vmem>>
    %dma_wait3A_157 = tpu.memref_squeeze %dma_wait3A_156 : memref<1x128xi32, #tpu.memory_space<vmem>> -> memref<128xi32, #tpu.memory_space<vmem>>
    %dma_wait3A_158 = arith.constant 0 : i32
    %dma_wait3A_159 = arith.constant 0 : i32
    %dma_wait3A_160 = tpu.memref_slice %arg4[%dma_wait3A_158, %dma_wait3A_159] : memref<100000x128xf32, #tpu.memory_space<hbm>> -> memref<100000x128xf32, #tpu.memory_space<hbm>>
    %dma_wait3A_161 = tpu.memref_slice %arg11[%dma_wait3A_151] : memref<2x!tpu.dma_semaphore, #tpu.memory_space<semaphore_mem>> -> memref<1x!tpu.dma_semaphore, #tpu.memory_space<semaphore_mem>>
    %dma_wait3A_162 = tpu.memref_squeeze %dma_wait3A_161 : memref<1x!tpu.dma_semaphore, #tpu.memory_space<semaphore_mem>> -> memref<!tpu.dma_semaphore, #tpu.memory_space<semaphore_mem>>
    tpu.wait_indirect_dma semaphore(%dma_wait3A_162 : memref<!tpu.dma_semaphore, #tpu.memory_space<semaphore_mem>>) src(%dma_wait3A_160 : memref<100000x128xf32, #tpu.memory_space<hbm>>) dst(%dma_wait3A_154 : memref<128x128xf32, #tpu.memory_space<vmem>>)
    %dma_start3A_163 = arith.constant 5 : i32
    %dma_start3A_164 = arith.constant 1 : i32
    %dma_start3A_165 = arith.constant 128 : i32
    %dma_start3A_166 = arith.constant 0 : i32
    %dma_start3A_167 = tpu.memref_slice %arg8[%dma_start3A_165, %dma_start3A_166] : memref<256x128xf32, #tpu.memory_space<vmem>> -> memref<128x128xf32, #tpu.memory_space<vmem>>
    %dma_start3A_168 = arith.constant 0 : i32
    %dma_start3A_169 = tpu.memref_slice %arg7[%dma_start3A_163, %dma_start3A_168] : memref<8x128xi32, #tpu.memory_space<vmem>> -> memref<1x128xi32, #tpu.memory_space<vmem>>
    %dma_start3A_170 = tpu.memref_squeeze %dma_start3A_169 : memref<1x128xi32, #tpu.memory_space<vmem>> -> memref<128xi32, #tpu.memory_space<vmem>>
    %dma_start3A_171 = arith.constant 0 : i32
    %dma_start3A_172 = arith.constant 0 : i32
    %dma_start3A_173 = tpu.memref_slice %arg5[%dma_start3A_171, %dma_start3A_172] : memref<100000x128xf32, #tpu.memory_space<hbm>> -> memref<100000x128xf32, #tpu.memory_space<hbm>>
    %dma_start3A_174 = tpu.memref_slice %arg11[%dma_start3A_164] : memref<2x!tpu.dma_semaphore, #tpu.memory_space<semaphore_mem>> -> memref<1x!tpu.dma_semaphore, #tpu.memory_space<semaphore_mem>>
    %dma_start3A_175 = tpu.memref_squeeze %dma_start3A_174 : memref<1x!tpu.dma_semaphore, #tpu.memory_space<semaphore_mem>> -> memref<!tpu.dma_semaphore, #tpu.memory_space<semaphore_mem>>
    tpu.enqueue_indirect_dma source(%dma_start3A_173 : memref<100000x128xf32, #tpu.memory_space<hbm>>) target(%dma_start3A_167 : memref<128x128xf32, #tpu.memory_space<vmem>>) offsets(%dma_start3A_170 : memref<128xi32, #tpu.memory_space<vmem>>) semaphore(%dma_start3A_175 : memref<!tpu.dma_semaphore, #tpu.memory_space<semaphore_mem>>)
    %add3A_176 = arith.constant 384 : i32
    %add3A_177 = arith.addi %mul3A_2, %add3A_176 : i32
    %dma_start3A_178 = arith.constant 0 : i32
    %dma_start3A_179 = arith.constant 384 : i32
    %dma_start3A_180 = arith.constant 0 : i32
    %dma_start3A_181 = tpu.memref_slice %arg9[%dma_start3A_179, %dma_start3A_180] : memref<512x128xbf16, #tpu.memory_space<vmem>> -> memref<128x128xbf16, #tpu.memory_space<vmem>>
    %dma_start3A_182 = arith.constant 0 : i32
    %dma_start3A_183 = tpu.memref_slice %arg6[%add3A_177, %dma_start3A_182] : memref<16384x256xbf16, #tpu.memory_space<hbm>> -> memref<128x128xbf16, #tpu.memory_space<hbm>>
    %dma_start3A_184 = tpu.memref_slice %arg12[%dma_start3A_178] : memref<2x!tpu.dma_semaphore, #tpu.memory_space<semaphore_mem>> -> memref<1x!tpu.dma_semaphore, #tpu.memory_space<semaphore_mem>>
    %dma_start3A_185 = tpu.memref_squeeze %dma_start3A_184 : memref<1x!tpu.dma_semaphore, #tpu.memory_space<semaphore_mem>> -> memref<!tpu.dma_semaphore, #tpu.memory_space<semaphore_mem>>
    %dma_start3A_186 = arith.constant 0 : i32
    %dma_start3A_187 = tpu.memref_slice %arg6[%add3A_177, %dma_start3A_186] : memref<16384x256xbf16, #tpu.memory_space<hbm>> -> memref<128x128xbf16, #tpu.memory_space<hbm>>
    %dma_start3A_188 = arith.constant 384 : i32
    %dma_start3A_189 = arith.constant 0 : i32
    %dma_start3A_190 = tpu.memref_slice %arg9[%dma_start3A_188, %dma_start3A_189] : memref<512x128xbf16, #tpu.memory_space<vmem>> -> memref<128x128xbf16, #tpu.memory_space<vmem>>
    tpu.enqueue_dma source(%dma_start3A_190 : memref<128x128xbf16, #tpu.memory_space<vmem>>) target(%dma_start3A_187 : memref<128x128xbf16, #tpu.memory_space<hbm>>) target_semaphore(%dma_start3A_185 : memref<!tpu.dma_semaphore, #tpu.memory_space<semaphore_mem>>)
    %dma_wait3A_191 = arith.constant 4 : i32
    %dma_wait3A_192 = arith.constant 0 : i32
    %dma_wait3A_193 = arith.constant 0 : i32
    %dma_wait3A_194 = arith.constant 0 : i32
    %dma_wait3A_195 = tpu.memref_slice %arg8[%dma_wait3A_193, %dma_wait3A_194] : memref<256x128xf32, #tpu.memory_space<vmem>> -> memref<128x128xf32, #tpu.memory_space<vmem>>
    %dma_wait3A_196 = arith.constant 0 : i32
    %dma_wait3A_197 = tpu.memref_slice %arg7[%dma_wait3A_191, %dma_wait3A_196] : memref<8x128xi32, #tpu.memory_space<vmem>> -> memref<1x128xi32, #tpu.memory_space<vmem>>
    %dma_wait3A_198 = tpu.memref_squeeze %dma_wait3A_197 : memref<1x128xi32, #tpu.memory_space<vmem>> -> memref<128xi32, #tpu.memory_space<vmem>>
    %dma_wait3A_199 = arith.constant 0 : i32
    %dma_wait3A_200 = arith.constant 0 : i32
    %dma_wait3A_201 = tpu.memref_slice %arg5[%dma_wait3A_199, %dma_wait3A_200] : memref<100000x128xf32, #tpu.memory_space<hbm>> -> memref<100000x128xf32, #tpu.memory_space<hbm>>
    %dma_wait3A_202 = tpu.memref_slice %arg11[%dma_wait3A_192] : memref<2x!tpu.dma_semaphore, #tpu.memory_space<semaphore_mem>> -> memref<1x!tpu.dma_semaphore, #tpu.memory_space<semaphore_mem>>
    %dma_wait3A_203 = tpu.memref_squeeze %dma_wait3A_202 : memref<1x!tpu.dma_semaphore, #tpu.memory_space<semaphore_mem>> -> memref<!tpu.dma_semaphore, #tpu.memory_space<semaphore_mem>>
    tpu.wait_indirect_dma semaphore(%dma_wait3A_203 : memref<!tpu.dma_semaphore, #tpu.memory_space<semaphore_mem>>) src(%dma_wait3A_201 : memref<100000x128xf32, #tpu.memory_space<hbm>>) dst(%dma_wait3A_195 : memref<128x128xf32, #tpu.memory_space<vmem>>)
    %dma_start3A_204 = arith.constant 6 : i32
    %dma_start3A_205 = arith.constant 0 : i32
    %dma_start3A_206 = arith.constant 0 : i32
    %dma_start3A_207 = arith.constant 0 : i32
    %dma_start3A_208 = tpu.memref_slice %arg8[%dma_start3A_206, %dma_start3A_207] : memref<256x128xf32, #tpu.memory_space<vmem>> -> memref<128x128xf32, #tpu.memory_space<vmem>>
    %dma_start3A_209 = arith.constant 0 : i32
    %dma_start3A_210 = tpu.memref_slice %arg7[%dma_start3A_204, %dma_start3A_209] : memref<8x128xi32, #tpu.memory_space<vmem>> -> memref<1x128xi32, #tpu.memory_space<vmem>>
    %dma_start3A_211 = tpu.memref_squeeze %dma_start3A_210 : memref<1x128xi32, #tpu.memory_space<vmem>> -> memref<128xi32, #tpu.memory_space<vmem>>
    %dma_start3A_212 = arith.constant 0 : i32
    %dma_start3A_213 = arith.constant 0 : i32
    %dma_start3A_214 = tpu.memref_slice %arg5[%dma_start3A_212, %dma_start3A_213] : memref<100000x128xf32, #tpu.memory_space<hbm>> -> memref<100000x128xf32, #tpu.memory_space<hbm>>
    %dma_start3A_215 = tpu.memref_slice %arg11[%dma_start3A_205] : memref<2x!tpu.dma_semaphore, #tpu.memory_space<semaphore_mem>> -> memref<1x!tpu.dma_semaphore, #tpu.memory_space<semaphore_mem>>
    %dma_start3A_216 = tpu.memref_squeeze %dma_start3A_215 : memref<1x!tpu.dma_semaphore, #tpu.memory_space<semaphore_mem>> -> memref<!tpu.dma_semaphore, #tpu.memory_space<semaphore_mem>>
    tpu.enqueue_indirect_dma source(%dma_start3A_214 : memref<100000x128xf32, #tpu.memory_space<hbm>>) target(%dma_start3A_208 : memref<128x128xf32, #tpu.memory_space<vmem>>) offsets(%dma_start3A_211 : memref<128xi32, #tpu.memory_space<vmem>>) semaphore(%dma_start3A_216 : memref<!tpu.dma_semaphore, #tpu.memory_space<semaphore_mem>>)
    %add3A_217 = arith.constant 0 : i32
    %add3A_218 = arith.addi %mul3A_2, %add3A_217 : i32
    %dma_start3A_219 = arith.constant 1 : i32
    %dma_start3A_220 = arith.constant 0 : i32
    %dma_start3A_221 = arith.constant 0 : i32
    %dma_start3A_222 = tpu.memref_slice %arg10[%dma_start3A_220, %dma_start3A_221] : memref<512x128xbf16, #tpu.memory_space<vmem>> -> memref<128x128xbf16, #tpu.memory_space<vmem>>
    %dma_start3A_223 = arith.constant 128 : i32
    %dma_start3A_224 = tpu.memref_slice %arg6[%add3A_218, %dma_start3A_223] : memref<16384x256xbf16, #tpu.memory_space<hbm>> -> memref<128x128xbf16, #tpu.memory_space<hbm>>
    %dma_start3A_225 = tpu.memref_slice %arg12[%dma_start3A_219] : memref<2x!tpu.dma_semaphore, #tpu.memory_space<semaphore_mem>> -> memref<1x!tpu.dma_semaphore, #tpu.memory_space<semaphore_mem>>
    %dma_start3A_226 = tpu.memref_squeeze %dma_start3A_225 : memref<1x!tpu.dma_semaphore, #tpu.memory_space<semaphore_mem>> -> memref<!tpu.dma_semaphore, #tpu.memory_space<semaphore_mem>>
    %dma_start3A_227 = arith.constant 128 : i32
    %dma_start3A_228 = tpu.memref_slice %arg6[%add3A_218, %dma_start3A_227] : memref<16384x256xbf16, #tpu.memory_space<hbm>> -> memref<128x128xbf16, #tpu.memory_space<hbm>>
    %dma_start3A_229 = arith.constant 0 : i32
    %dma_start3A_230 = arith.constant 0 : i32
    %dma_start3A_231 = tpu.memref_slice %arg10[%dma_start3A_229, %dma_start3A_230] : memref<512x128xbf16, #tpu.memory_space<vmem>> -> memref<128x128xbf16, #tpu.memory_space<vmem>>
    tpu.enqueue_dma source(%dma_start3A_231 : memref<128x128xbf16, #tpu.memory_space<vmem>>) target(%dma_start3A_228 : memref<128x128xbf16, #tpu.memory_space<hbm>>) target_semaphore(%dma_start3A_226 : memref<!tpu.dma_semaphore, #tpu.memory_space<semaphore_mem>>)
    %dma_wait3A_232 = arith.constant 5 : i32
    %dma_wait3A_233 = arith.constant 1 : i32
    %dma_wait3A_234 = arith.constant 128 : i32
    %dma_wait3A_235 = arith.constant 0 : i32
    %dma_wait3A_236 = tpu.memref_slice %arg8[%dma_wait3A_234, %dma_wait3A_235] : memref<256x128xf32, #tpu.memory_space<vmem>> -> memref<128x128xf32, #tpu.memory_space<vmem>>
    %dma_wait3A_237 = arith.constant 0 : i32
    %dma_wait3A_238 = tpu.memref_slice %arg7[%dma_wait3A_232, %dma_wait3A_237] : memref<8x128xi32, #tpu.memory_space<vmem>> -> memref<1x128xi32, #tpu.memory_space<vmem>>
    %dma_wait3A_239 = tpu.memref_squeeze %dma_wait3A_238 : memref<1x128xi32, #tpu.memory_space<vmem>> -> memref<128xi32, #tpu.memory_space<vmem>>
    %dma_wait3A_240 = arith.constant 0 : i32
    %dma_wait3A_241 = arith.constant 0 : i32
    %dma_wait3A_242 = tpu.memref_slice %arg5[%dma_wait3A_240, %dma_wait3A_241] : memref<100000x128xf32, #tpu.memory_space<hbm>> -> memref<100000x128xf32, #tpu.memory_space<hbm>>
    %dma_wait3A_243 = tpu.memref_slice %arg11[%dma_wait3A_233] : memref<2x!tpu.dma_semaphore, #tpu.memory_space<semaphore_mem>> -> memref<1x!tpu.dma_semaphore, #tpu.memory_space<semaphore_mem>>
    %dma_wait3A_244 = tpu.memref_squeeze %dma_wait3A_243 : memref<1x!tpu.dma_semaphore, #tpu.memory_space<semaphore_mem>> -> memref<!tpu.dma_semaphore, #tpu.memory_space<semaphore_mem>>
    tpu.wait_indirect_dma semaphore(%dma_wait3A_244 : memref<!tpu.dma_semaphore, #tpu.memory_space<semaphore_mem>>) src(%dma_wait3A_242 : memref<100000x128xf32, #tpu.memory_space<hbm>>) dst(%dma_wait3A_236 : memref<128x128xf32, #tpu.memory_space<vmem>>)
    %dma_start3A_245 = arith.constant 7 : i32
    %dma_start3A_246 = arith.constant 1 : i32
    %dma_start3A_247 = arith.constant 128 : i32
    %dma_start3A_248 = arith.constant 0 : i32
    %dma_start3A_249 = tpu.memref_slice %arg8[%dma_start3A_247, %dma_start3A_248] : memref<256x128xf32, #tpu.memory_space<vmem>> -> memref<128x128xf32, #tpu.memory_space<vmem>>
    %dma_start3A_250 = arith.constant 0 : i32
    %dma_start3A_251 = tpu.memref_slice %arg7[%dma_start3A_245, %dma_start3A_250] : memref<8x128xi32, #tpu.memory_space<vmem>> -> memref<1x128xi32, #tpu.memory_space<vmem>>
    %dma_start3A_252 = tpu.memref_squeeze %dma_start3A_251 : memref<1x128xi32, #tpu.memory_space<vmem>> -> memref<128xi32, #tpu.memory_space<vmem>>
    %dma_start3A_253 = arith.constant 0 : i32
    %dma_start3A_254 = arith.constant 0 : i32
    %dma_start3A_255 = tpu.memref_slice %arg5[%dma_start3A_253, %dma_start3A_254] : memref<100000x128xf32, #tpu.memory_space<hbm>> -> memref<100000x128xf32, #tpu.memory_space<hbm>>
    %dma_start3A_256 = tpu.memref_slice %arg11[%dma_start3A_246] : memref<2x!tpu.dma_semaphore, #tpu.memory_space<semaphore_mem>> -> memref<1x!tpu.dma_semaphore, #tpu.memory_space<semaphore_mem>>
    %dma_start3A_257 = tpu.memref_squeeze %dma_start3A_256 : memref<1x!tpu.dma_semaphore, #tpu.memory_space<semaphore_mem>> -> memref<!tpu.dma_semaphore, #tpu.memory_space<semaphore_mem>>
    tpu.enqueue_indirect_dma source(%dma_start3A_255 : memref<100000x128xf32, #tpu.memory_space<hbm>>) target(%dma_start3A_249 : memref<128x128xf32, #tpu.memory_space<vmem>>) offsets(%dma_start3A_252 : memref<128xi32, #tpu.memory_space<vmem>>) semaphore(%dma_start3A_257 : memref<!tpu.dma_semaphore, #tpu.memory_space<semaphore_mem>>)
    %add3A_258 = arith.constant 128 : i32
    %add3A_259 = arith.addi %mul3A_2, %add3A_258 : i32
    %dma_start3A_260 = arith.constant 1 : i32
    %dma_start3A_261 = arith.constant 128 : i32
    %dma_start3A_262 = arith.constant 0 : i32
    %dma_start3A_263 = tpu.memref_slice %arg10[%dma_start3A_261, %dma_start3A_262] : memref<512x128xbf16, #tpu.memory_space<vmem>> -> memref<128x128xbf16, #tpu.memory_space<vmem>>
    %dma_start3A_264 = arith.constant 128 : i32
    %dma_start3A_265 = tpu.memref_slice %arg6[%add3A_259, %dma_start3A_264] : memref<16384x256xbf16, #tpu.memory_space<hbm>> -> memref<128x128xbf16, #tpu.memory_space<hbm>>
    %dma_start3A_266 = tpu.memref_slice %arg12[%dma_start3A_260] : memref<2x!tpu.dma_semaphore, #tpu.memory_space<semaphore_mem>> -> memref<1x!tpu.dma_semaphore, #tpu.memory_space<semaphore_mem>>
    %dma_start3A_267 = tpu.memref_squeeze %dma_start3A_266 : memref<1x!tpu.dma_semaphore, #tpu.memory_space<semaphore_mem>> -> memref<!tpu.dma_semaphore, #tpu.memory_space<semaphore_mem>>
    %dma_start3A_268 = arith.constant 128 : i32
    %dma_start3A_269 = tpu.memref_slice %arg6[%add3A_259, %dma_start3A_268] : memref<16384x256xbf16, #tpu.memory_space<hbm>> -> memref<128x128xbf16, #tpu.memory_space<hbm>>
    %dma_start3A_270 = arith.constant 128 : i32
    %dma_start3A_271 = arith.constant 0 : i32
    %dma_start3A_272 = tpu.memref_slice %arg10[%dma_start3A_270, %dma_start3A_271] : memref<512x128xbf16, #tpu.memory_space<vmem>> -> memref<128x128xbf16, #tpu.memory_space<vmem>>
    tpu.enqueue_dma source(%dma_start3A_272 : memref<128x128xbf16, #tpu.memory_space<vmem>>) target(%dma_start3A_269 : memref<128x128xbf16, #tpu.memory_space<hbm>>) target_semaphore(%dma_start3A_267 : memref<!tpu.dma_semaphore, #tpu.memory_space<semaphore_mem>>)
    %dma_wait3A_273 = arith.constant 6 : i32
    %dma_wait3A_274 = arith.constant 0 : i32
    %dma_wait3A_275 = arith.constant 0 : i32
    %dma_wait3A_276 = arith.constant 0 : i32
    %dma_wait3A_277 = tpu.memref_slice %arg8[%dma_wait3A_275, %dma_wait3A_276] : memref<256x128xf32, #tpu.memory_space<vmem>> -> memref<128x128xf32, #tpu.memory_space<vmem>>
    %dma_wait3A_278 = arith.constant 0 : i32
    %dma_wait3A_279 = tpu.memref_slice %arg7[%dma_wait3A_273, %dma_wait3A_278] : memref<8x128xi32, #tpu.memory_space<vmem>> -> memref<1x128xi32, #tpu.memory_space<vmem>>
    %dma_wait3A_280 = tpu.memref_squeeze %dma_wait3A_279 : memref<1x128xi32, #tpu.memory_space<vmem>> -> memref<128xi32, #tpu.memory_space<vmem>>
    %dma_wait3A_281 = arith.constant 0 : i32
    %dma_wait3A_282 = arith.constant 0 : i32
    %dma_wait3A_283 = tpu.memref_slice %arg5[%dma_wait3A_281, %dma_wait3A_282] : memref<100000x128xf32, #tpu.memory_space<hbm>> -> memref<100000x128xf32, #tpu.memory_space<hbm>>
    %dma_wait3A_284 = tpu.memref_slice %arg11[%dma_wait3A_274] : memref<2x!tpu.dma_semaphore, #tpu.memory_space<semaphore_mem>> -> memref<1x!tpu.dma_semaphore, #tpu.memory_space<semaphore_mem>>
    %dma_wait3A_285 = tpu.memref_squeeze %dma_wait3A_284 : memref<1x!tpu.dma_semaphore, #tpu.memory_space<semaphore_mem>> -> memref<!tpu.dma_semaphore, #tpu.memory_space<semaphore_mem>>
    tpu.wait_indirect_dma semaphore(%dma_wait3A_285 : memref<!tpu.dma_semaphore, #tpu.memory_space<semaphore_mem>>) src(%dma_wait3A_283 : memref<100000x128xf32, #tpu.memory_space<hbm>>) dst(%dma_wait3A_277 : memref<128x128xf32, #tpu.memory_space<vmem>>)
    %add3A_286 = arith.constant 256 : i32
    %add3A_287 = arith.addi %mul3A_2, %add3A_286 : i32
    %dma_start3A_288 = arith.constant 1 : i32
    %dma_start3A_289 = arith.constant 256 : i32
    %dma_start3A_290 = arith.constant 0 : i32
    %dma_start3A_291 = tpu.memref_slice %arg10[%dma_start3A_289, %dma_start3A_290] : memref<512x128xbf16, #tpu.memory_space<vmem>> -> memref<128x128xbf16, #tpu.memory_space<vmem>>
    %dma_start3A_292 = arith.constant 128 : i32
    %dma_start3A_293 = tpu.memref_slice %arg6[%add3A_287, %dma_start3A_292] : memref<16384x256xbf16, #tpu.memory_space<hbm>> -> memref<128x128xbf16, #tpu.memory_space<hbm>>
    %dma_start3A_294 = tpu.memref_slice %arg12[%dma_start3A_288] : memref<2x!tpu.dma_semaphore, #tpu.memory_space<semaphore_mem>> -> memref<1x!tpu.dma_semaphore, #tpu.memory_space<semaphore_mem>>
    %dma_start3A_295 = tpu.memref_squeeze %dma_start3A_294 : memref<1x!tpu.dma_semaphore, #tpu.memory_space<semaphore_mem>> -> memref<!tpu.dma_semaphore, #tpu.memory_space<semaphore_mem>>
    %dma_start3A_296 = arith.constant 128 : i32
    %dma_start3A_297 = tpu.memref_slice %arg6[%add3A_287, %dma_start3A_296] : memref<16384x256xbf16, #tpu.memory_space<hbm>> -> memref<128x128xbf16, #tpu.memory_space<hbm>>
    %dma_start3A_298 = arith.constant 256 : i32
    %dma_start3A_299 = arith.constant 0 : i32
    %dma_start3A_300 = tpu.memref_slice %arg10[%dma_start3A_298, %dma_start3A_299] : memref<512x128xbf16, #tpu.memory_space<vmem>> -> memref<128x128xbf16, #tpu.memory_space<vmem>>
    tpu.enqueue_dma source(%dma_start3A_300 : memref<128x128xbf16, #tpu.memory_space<vmem>>) target(%dma_start3A_297 : memref<128x128xbf16, #tpu.memory_space<hbm>>) target_semaphore(%dma_start3A_295 : memref<!tpu.dma_semaphore, #tpu.memory_space<semaphore_mem>>)
    %dma_wait3A_301 = arith.constant 7 : i32
    %dma_wait3A_302 = arith.constant 1 : i32
    %dma_wait3A_303 = arith.constant 128 : i32
    %dma_wait3A_304 = arith.constant 0 : i32
    %dma_wait3A_305 = tpu.memref_slice %arg8[%dma_wait3A_303, %dma_wait3A_304] : memref<256x128xf32, #tpu.memory_space<vmem>> -> memref<128x128xf32, #tpu.memory_space<vmem>>
    %dma_wait3A_306 = arith.constant 0 : i32
    %dma_wait3A_307 = tpu.memref_slice %arg7[%dma_wait3A_301, %dma_wait3A_306] : memref<8x128xi32, #tpu.memory_space<vmem>> -> memref<1x128xi32, #tpu.memory_space<vmem>>
    %dma_wait3A_308 = tpu.memref_squeeze %dma_wait3A_307 : memref<1x128xi32, #tpu.memory_space<vmem>> -> memref<128xi32, #tpu.memory_space<vmem>>
    %dma_wait3A_309 = arith.constant 0 : i32
    %dma_wait3A_310 = arith.constant 0 : i32
    %dma_wait3A_311 = tpu.memref_slice %arg5[%dma_wait3A_309, %dma_wait3A_310] : memref<100000x128xf32, #tpu.memory_space<hbm>> -> memref<100000x128xf32, #tpu.memory_space<hbm>>
    %dma_wait3A_312 = tpu.memref_slice %arg11[%dma_wait3A_302] : memref<2x!tpu.dma_semaphore, #tpu.memory_space<semaphore_mem>> -> memref<1x!tpu.dma_semaphore, #tpu.memory_space<semaphore_mem>>
    %dma_wait3A_313 = tpu.memref_squeeze %dma_wait3A_312 : memref<1x!tpu.dma_semaphore, #tpu.memory_space<semaphore_mem>> -> memref<!tpu.dma_semaphore, #tpu.memory_space<semaphore_mem>>
    tpu.wait_indirect_dma semaphore(%dma_wait3A_313 : memref<!tpu.dma_semaphore, #tpu.memory_space<semaphore_mem>>) src(%dma_wait3A_311 : memref<100000x128xf32, #tpu.memory_space<hbm>>) dst(%dma_wait3A_305 : memref<128x128xf32, #tpu.memory_space<vmem>>)
    %add3A_314 = arith.constant 384 : i32
    %add3A_315 = arith.addi %mul3A_2, %add3A_314 : i32
    %dma_start3A_316 = arith.constant 1 : i32
    %dma_start3A_317 = arith.constant 384 : i32
    %dma_start3A_318 = arith.constant 0 : i32
    %dma_start3A_319 = tpu.memref_slice %arg10[%dma_start3A_317, %dma_start3A_318] : memref<512x128xbf16, #tpu.memory_space<vmem>> -> memref<128x128xbf16, #tpu.memory_space<vmem>>
    %dma_start3A_320 = arith.constant 128 : i32
    %dma_start3A_321 = tpu.memref_slice %arg6[%add3A_315, %dma_start3A_320] : memref<16384x256xbf16, #tpu.memory_space<hbm>> -> memref<128x128xbf16, #tpu.memory_space<hbm>>
    %dma_start3A_322 = tpu.memref_slice %arg12[%dma_start3A_316] : memref<2x!tpu.dma_semaphore, #tpu.memory_space<semaphore_mem>> -> memref<1x!tpu.dma_semaphore, #tpu.memory_space<semaphore_mem>>
    %dma_start3A_323 = tpu.memref_squeeze %dma_start3A_322 : memref<1x!tpu.dma_semaphore, #tpu.memory_space<semaphore_mem>> -> memref<!tpu.dma_semaphore, #tpu.memory_space<semaphore_mem>>
    %dma_start3A_324 = arith.constant 128 : i32
    %dma_start3A_325 = tpu.memref_slice %arg6[%add3A_315, %dma_start3A_324] : memref<16384x256xbf16, #tpu.memory_space<hbm>> -> memref<128x128xbf16, #tpu.memory_space<hbm>>
    %dma_start3A_326 = arith.constant 384 : i32
    %dma_start3A_327 = arith.constant 0 : i32
    %dma_start3A_328 = tpu.memref_slice %arg10[%dma_start3A_326, %dma_start3A_327] : memref<512x128xbf16, #tpu.memory_space<vmem>> -> memref<128x128xbf16, #tpu.memory_space<vmem>>
    tpu.enqueue_dma source(%dma_start3A_328 : memref<128x128xbf16, #tpu.memory_space<vmem>>) target(%dma_start3A_325 : memref<128x128xbf16, #tpu.memory_space<hbm>>) target_semaphore(%dma_start3A_323 : memref<!tpu.dma_semaphore, #tpu.memory_space<semaphore_mem>>)
    %dma_wait3A_329 = arith.constant 0 : i32
    %dma_wait3A_330 = arith.constant 0 : i32
    %dma_wait3A_331 = arith.constant 0 : i32
    %dma_wait3A_332 = tpu.memref_slice %arg9[%dma_wait3A_330, %dma_wait3A_331] : memref<512x128xbf16, #tpu.memory_space<vmem>> -> memref<128x128xbf16, #tpu.memory_space<vmem>>
    %dma_wait3A_333 = arith.constant 0 : i32
    %dma_wait3A_334 = tpu.memref_slice %arg6[%add3A_54, %dma_wait3A_333] : memref<16384x256xbf16, #tpu.memory_space<hbm>> -> memref<128x128xbf16, #tpu.memory_space<hbm>>
    %dma_wait3A_335 = tpu.memref_slice %arg12[%dma_wait3A_329] : memref<2x!tpu.dma_semaphore, #tpu.memory_space<semaphore_mem>> -> memref<1x!tpu.dma_semaphore, #tpu.memory_space<semaphore_mem>>
    %dma_wait3A_336 = tpu.memref_squeeze %dma_wait3A_335 : memref<1x!tpu.dma_semaphore, #tpu.memory_space<semaphore_mem>> -> memref<!tpu.dma_semaphore, #tpu.memory_space<semaphore_mem>>
    %dma_wait3A_337 = arith.constant 0 : i32
    %dma_wait3A_338 = tpu.memref_slice %arg6[%add3A_54, %dma_wait3A_337] : memref<16384x256xbf16, #tpu.memory_space<hbm>> -> memref<128x128xbf16, #tpu.memory_space<hbm>>
    %dma_wait3A_339 = arith.constant 0 : i32
    %dma_wait3A_340 = arith.constant 0 : i32
    %dma_wait3A_341 = tpu.memref_slice %arg9[%dma_wait3A_339, %dma_wait3A_340] : memref<512x128xbf16, #tpu.memory_space<vmem>> -> memref<128x128xbf16, #tpu.memory_space<vmem>>
    tpu.wait_dma2 semaphore(%dma_wait3A_336 : memref<!tpu.dma_semaphore, #tpu.memory_space<semaphore_mem>>) src(%dma_wait3A_341 : memref<128x128xbf16, #tpu.memory_space<vmem>>) dst(%dma_wait3A_338 : memref<128x128xbf16, #tpu.memory_space<hbm>>)
    %dma_wait3A_342 = arith.constant 0 : i32
    %dma_wait3A_343 = arith.constant 128 : i32
    %dma_wait3A_344 = arith.constant 0 : i32
    %dma_wait3A_345 = tpu.memref_slice %arg9[%dma_wait3A_343, %dma_wait3A_344] : memref<512x128xbf16, #tpu.memory_space<vmem>> -> memref<128x128xbf16, #tpu.memory_space<vmem>>
    %dma_wait3A_346 = arith.constant 0 : i32
    %dma_wait3A_347 = tpu.memref_slice %arg6[%add3A_95, %dma_wait3A_346] : memref<16384x256xbf16, #tpu.memory_space<hbm>> -> memref<128x128xbf16, #tpu.memory_space<hbm>>
    %dma_wait3A_348 = tpu.memref_slice %arg12[%dma_wait3A_342] : memref<2x!tpu.dma_semaphore, #tpu.memory_space<semaphore_mem>> -> memref<1x!tpu.dma_semaphore, #tpu.memory_space<semaphore_mem>>
    %dma_wait3A_349 = tpu.memref_squeeze %dma_wait3A_348 : memref<1x!tpu.dma_semaphore, #tpu.memory_space<semaphore_mem>> -> memref<!tpu.dma_semaphore, #tpu.memory_space<semaphore_mem>>
    %dma_wait3A_350 = arith.constant 0 : i32
    %dma_wait3A_351 = tpu.memref_slice %arg6[%add3A_95, %dma_wait3A_350] : memref<16384x256xbf16, #tpu.memory_space<hbm>> -> memref<128x128xbf16, #tpu.memory_space<hbm>>
    %dma_wait3A_352 = arith.constant 128 : i32
    %dma_wait3A_353 = arith.constant 0 : i32
    %dma_wait3A_354 = tpu.memref_slice %arg9[%dma_wait3A_352, %dma_wait3A_353] : memref<512x128xbf16, #tpu.memory_space<vmem>> -> memref<128x128xbf16, #tpu.memory_space<vmem>>
    tpu.wait_dma2 semaphore(%dma_wait3A_349 : memref<!tpu.dma_semaphore, #tpu.memory_space<semaphore_mem>>) src(%dma_wait3A_354 : memref<128x128xbf16, #tpu.memory_space<vmem>>) dst(%dma_wait3A_351 : memref<128x128xbf16, #tpu.memory_space<hbm>>)
    %dma_wait3A_355 = arith.constant 0 : i32
    %dma_wait3A_356 = arith.constant 256 : i32
    %dma_wait3A_357 = arith.constant 0 : i32
    %dma_wait3A_358 = tpu.memref_slice %arg9[%dma_wait3A_356, %dma_wait3A_357] : memref<512x128xbf16, #tpu.memory_space<vmem>> -> memref<128x128xbf16, #tpu.memory_space<vmem>>
    %dma_wait3A_359 = arith.constant 0 : i32
    %dma_wait3A_360 = tpu.memref_slice %arg6[%add3A_136, %dma_wait3A_359] : memref<16384x256xbf16, #tpu.memory_space<hbm>> -> memref<128x128xbf16, #tpu.memory_space<hbm>>
    %dma_wait3A_361 = tpu.memref_slice %arg12[%dma_wait3A_355] : memref<2x!tpu.dma_semaphore, #tpu.memory_space<semaphore_mem>> -> memref<1x!tpu.dma_semaphore, #tpu.memory_space<semaphore_mem>>
    %dma_wait3A_362 = tpu.memref_squeeze %dma_wait3A_361 : memref<1x!tpu.dma_semaphore, #tpu.memory_space<semaphore_mem>> -> memref<!tpu.dma_semaphore, #tpu.memory_space<semaphore_mem>>
    %dma_wait3A_363 = arith.constant 0 : i32
    %dma_wait3A_364 = tpu.memref_slice %arg6[%add3A_136, %dma_wait3A_363] : memref<16384x256xbf16, #tpu.memory_space<hbm>> -> memref<128x128xbf16, #tpu.memory_space<hbm>>
    %dma_wait3A_365 = arith.constant 256 : i32
    %dma_wait3A_366 = arith.constant 0 : i32
    %dma_wait3A_367 = tpu.memref_slice %arg9[%dma_wait3A_365, %dma_wait3A_366] : memref<512x128xbf16, #tpu.memory_space<vmem>> -> memref<128x128xbf16, #tpu.memory_space<vmem>>
    tpu.wait_dma2 semaphore(%dma_wait3A_362 : memref<!tpu.dma_semaphore, #tpu.memory_space<semaphore_mem>>) src(%dma_wait3A_367 : memref<128x128xbf16, #tpu.memory_space<vmem>>) dst(%dma_wait3A_364 : memref<128x128xbf16, #tpu.memory_space<hbm>>)
    %dma_wait3A_368 = arith.constant 0 : i32
    %dma_wait3A_369 = arith.constant 384 : i32
    %dma_wait3A_370 = arith.constant 0 : i32
    %dma_wait3A_371 = tpu.memref_slice %arg9[%dma_wait3A_369, %dma_wait3A_370] : memref<512x128xbf16, #tpu.memory_space<vmem>> -> memref<128x128xbf16, #tpu.memory_space<vmem>>
    %dma_wait3A_372 = arith.constant 0 : i32
    %dma_wait3A_373 = tpu.memref_slice %arg6[%add3A_177, %dma_wait3A_372] : memref<16384x256xbf16, #tpu.memory_space<hbm>> -> memref<128x128xbf16, #tpu.memory_space<hbm>>
    %dma_wait3A_374 = tpu.memref_slice %arg12[%dma_wait3A_368] : memref<2x!tpu.dma_semaphore, #tpu.memory_space<semaphore_mem>> -> memref<1x!tpu.dma_semaphore, #tpu.memory_space<semaphore_mem>>
    %dma_wait3A_375 = tpu.memref_squeeze %dma_wait3A_374 : memref<1x!tpu.dma_semaphore, #tpu.memory_space<semaphore_mem>> -> memref<!tpu.dma_semaphore, #tpu.memory_space<semaphore_mem>>
    %dma_wait3A_376 = arith.constant 0 : i32
    %dma_wait3A_377 = tpu.memref_slice %arg6[%add3A_177, %dma_wait3A_376] : memref<16384x256xbf16, #tpu.memory_space<hbm>> -> memref<128x128xbf16, #tpu.memory_space<hbm>>
    %dma_wait3A_378 = arith.constant 384 : i32
    %dma_wait3A_379 = arith.constant 0 : i32
    %dma_wait3A_380 = tpu.memref_slice %arg9[%dma_wait3A_378, %dma_wait3A_379] : memref<512x128xbf16, #tpu.memory_space<vmem>> -> memref<128x128xbf16, #tpu.memory_space<vmem>>
    tpu.wait_dma2 semaphore(%dma_wait3A_375 : memref<!tpu.dma_semaphore, #tpu.memory_space<semaphore_mem>>) src(%dma_wait3A_380 : memref<128x128xbf16, #tpu.memory_space<vmem>>) dst(%dma_wait3A_377 : memref<128x128xbf16, #tpu.memory_space<hbm>>)
    %dma_wait3A_381 = arith.constant 1 : i32
    %dma_wait3A_382 = arith.constant 0 : i32
    %dma_wait3A_383 = arith.constant 0 : i32
    %dma_wait3A_384 = tpu.memref_slice %arg10[%dma_wait3A_382, %dma_wait3A_383] : memref<512x128xbf16, #tpu.memory_space<vmem>> -> memref<128x128xbf16, #tpu.memory_space<vmem>>
    %dma_wait3A_385 = arith.constant 128 : i32
    %dma_wait3A_386 = tpu.memref_slice %arg6[%add3A_218, %dma_wait3A_385] : memref<16384x256xbf16, #tpu.memory_space<hbm>> -> memref<128x128xbf16, #tpu.memory_space<hbm>>
    %dma_wait3A_387 = tpu.memref_slice %arg12[%dma_wait3A_381] : memref<2x!tpu.dma_semaphore, #tpu.memory_space<semaphore_mem>> -> memref<1x!tpu.dma_semaphore, #tpu.memory_space<semaphore_mem>>
    %dma_wait3A_388 = tpu.memref_squeeze %dma_wait3A_387 : memref<1x!tpu.dma_semaphore, #tpu.memory_space<semaphore_mem>> -> memref<!tpu.dma_semaphore, #tpu.memory_space<semaphore_mem>>
    %dma_wait3A_389 = arith.constant 128 : i32
    %dma_wait3A_390 = tpu.memref_slice %arg6[%add3A_218, %dma_wait3A_389] : memref<16384x256xbf16, #tpu.memory_space<hbm>> -> memref<128x128xbf16, #tpu.memory_space<hbm>>
    %dma_wait3A_391 = arith.constant 0 : i32
    %dma_wait3A_392 = arith.constant 0 : i32
    %dma_wait3A_393 = tpu.memref_slice %arg10[%dma_wait3A_391, %dma_wait3A_392] : memref<512x128xbf16, #tpu.memory_space<vmem>> -> memref<128x128xbf16, #tpu.memory_space<vmem>>
    tpu.wait_dma2 semaphore(%dma_wait3A_388 : memref<!tpu.dma_semaphore, #tpu.memory_space<semaphore_mem>>) src(%dma_wait3A_393 : memref<128x128xbf16, #tpu.memory_space<vmem>>) dst(%dma_wait3A_390 : memref<128x128xbf16, #tpu.memory_space<hbm>>)
    %dma_wait3A_394 = arith.constant 1 : i32
    %dma_wait3A_395 = arith.constant 128 : i32
    %dma_wait3A_396 = arith.constant 0 : i32
    %dma_wait3A_397 = tpu.memref_slice %arg10[%dma_wait3A_395, %dma_wait3A_396] : memref<512x128xbf16, #tpu.memory_space<vmem>> -> memref<128x128xbf16, #tpu.memory_space<vmem>>
    %dma_wait3A_398 = arith.constant 128 : i32
    %dma_wait3A_399 = tpu.memref_slice %arg6[%add3A_259, %dma_wait3A_398] : memref<16384x256xbf16, #tpu.memory_space<hbm>> -> memref<128x128xbf16, #tpu.memory_space<hbm>>
    %dma_wait3A_400 = tpu.memref_slice %arg12[%dma_wait3A_394] : memref<2x!tpu.dma_semaphore, #tpu.memory_space<semaphore_mem>> -> memref<1x!tpu.dma_semaphore, #tpu.memory_space<semaphore_mem>>
    %dma_wait3A_401 = tpu.memref_squeeze %dma_wait3A_400 : memref<1x!tpu.dma_semaphore, #tpu.memory_space<semaphore_mem>> -> memref<!tpu.dma_semaphore, #tpu.memory_space<semaphore_mem>>
    %dma_wait3A_402 = arith.constant 128 : i32
    %dma_wait3A_403 = tpu.memref_slice %arg6[%add3A_259, %dma_wait3A_402] : memref<16384x256xbf16, #tpu.memory_space<hbm>> -> memref<128x128xbf16, #tpu.memory_space<hbm>>
    %dma_wait3A_404 = arith.constant 128 : i32
    %dma_wait3A_405 = arith.constant 0 : i32
    %dma_wait3A_406 = tpu.memref_slice %arg10[%dma_wait3A_404, %dma_wait3A_405] : memref<512x128xbf16, #tpu.memory_space<vmem>> -> memref<128x128xbf16, #tpu.memory_space<vmem>>
    tpu.wait_dma2 semaphore(%dma_wait3A_401 : memref<!tpu.dma_semaphore, #tpu.memory_space<semaphore_mem>>) src(%dma_wait3A_406 : memref<128x128xbf16, #tpu.memory_space<vmem>>) dst(%dma_wait3A_403 : memref<128x128xbf16, #tpu.memory_space<hbm>>)
    %dma_wait3A_407 = arith.constant 1 : i32
    %dma_wait3A_408 = arith.constant 256 : i32
    %dma_wait3A_409 = arith.constant 0 : i32
    %dma_wait3A_410 = tpu.memref_slice %arg10[%dma_wait3A_408, %dma_wait3A_409] : memref<512x128xbf16, #tpu.memory_space<vmem>> -> memref<128x128xbf16, #tpu.memory_space<vmem>>
    %dma_wait3A_411 = arith.constant 128 : i32
    %dma_wait3A_412 = tpu.memref_slice %arg6[%add3A_287, %dma_wait3A_411] : memref<16384x256xbf16, #tpu.memory_space<hbm>> -> memref<128x128xbf16, #tpu.memory_space<hbm>>
    %dma_wait3A_413 = tpu.memref_slice %arg12[%dma_wait3A_407] : memref<2x!tpu.dma_semaphore, #tpu.memory_space<semaphore_mem>> -> memref<1x!tpu.dma_semaphore, #tpu.memory_space<semaphore_mem>>
    %dma_wait3A_414 = tpu.memref_squeeze %dma_wait3A_413 : memref<1x!tpu.dma_semaphore, #tpu.memory_space<semaphore_mem>> -> memref<!tpu.dma_semaphore, #tpu.memory_space<semaphore_mem>>
    %dma_wait3A_415 = arith.constant 128 : i32
    %dma_wait3A_416 = tpu.memref_slice %arg6[%add3A_287, %dma_wait3A_415] : memref<16384x256xbf16, #tpu.memory_space<hbm>> -> memref<128x128xbf16, #tpu.memory_space<hbm>>
    %dma_wait3A_417 = arith.constant 256 : i32
    %dma_wait3A_418 = arith.constant 0 : i32
    %dma_wait3A_419 = tpu.memref_slice %arg10[%dma_wait3A_417, %dma_wait3A_418] : memref<512x128xbf16, #tpu.memory_space<vmem>> -> memref<128x128xbf16, #tpu.memory_space<vmem>>
    tpu.wait_dma2 semaphore(%dma_wait3A_414 : memref<!tpu.dma_semaphore, #tpu.memory_space<semaphore_mem>>) src(%dma_wait3A_419 : memref<128x128xbf16, #tpu.memory_space<vmem>>) dst(%dma_wait3A_416 : memref<128x128xbf16, #tpu.memory_space<hbm>>)
    %dma_wait3A_420 = arith.constant 1 : i32
    %dma_wait3A_421 = arith.constant 384 : i32
    %dma_wait3A_422 = arith.constant 0 : i32
    %dma_wait3A_423 = tpu.memref_slice %arg10[%dma_wait3A_421, %dma_wait3A_422] : memref<512x128xbf16, #tpu.memory_space<vmem>> -> memref<128x128xbf16, #tpu.memory_space<vmem>>
    %dma_wait3A_424 = arith.constant 128 : i32
    %dma_wait3A_425 = tpu.memref_slice %arg6[%add3A_315, %dma_wait3A_424] : memref<16384x256xbf16, #tpu.memory_space<hbm>> -> memref<128x128xbf16, #tpu.memory_space<hbm>>
    %dma_wait3A_426 = tpu.memref_slice %arg12[%dma_wait3A_420] : memref<2x!tpu.dma_semaphore, #tpu.memory_space<semaphore_mem>> -> memref<1x!tpu.dma_semaphore, #tpu.memory_space<semaphore_mem>>
    %dma_wait3A_427 = tpu.memref_squeeze %dma_wait3A_426 : memref<1x!tpu.dma_semaphore, #tpu.memory_space<semaphore_mem>> -> memref<!tpu.dma_semaphore, #tpu.memory_space<semaphore_mem>>
    %dma_wait3A_428 = arith.constant 128 : i32
    %dma_wait3A_429 = tpu.memref_slice %arg6[%add3A_315, %dma_wait3A_428] : memref<16384x256xbf16, #tpu.memory_space<hbm>> -> memref<128x128xbf16, #tpu.memory_space<hbm>>
    %dma_wait3A_430 = arith.constant 384 : i32
    %dma_wait3A_431 = arith.constant 0 : i32
    %dma_wait3A_432 = tpu.memref_slice %arg10[%dma_wait3A_430, %dma_wait3A_431] : memref<512x128xbf16, #tpu.memory_space<vmem>> -> memref<128x128xbf16, #tpu.memory_space<vmem>>
    tpu.wait_dma2 semaphore(%dma_wait3A_427 : memref<!tpu.dma_semaphore, #tpu.memory_space<semaphore_mem>>) src(%dma_wait3A_432 : memref<128x128xbf16, #tpu.memory_space<vmem>>) dst(%dma_wait3A_429 : memref<128x128xbf16, #tpu.memory_space<hbm>>)
    return
  }
}

module attributes {stable_mosaic.version = 14 : i64} {
  func.func @_mlp_body(%arg0: i32, %arg1: memref<8192x256xbf16, #tpu.memory_space<vmem>>, %arg2: memref<256x64xbf16, #tpu.memory_space<vmem>>, %arg3: memref<1x64xf32, #tpu.memory_space<vmem>>, %arg4: memref<64x32xf32, #tpu.memory_space<vmem>>, %arg5: memref<1x32xf32, #tpu.memory_space<vmem>>, %arg6: memref<32x1xf32, #tpu.memory_space<vmem>>, %arg7: memref<1x1xf32, #tpu.memory_space<vmem>>, %arg8: memref<8192x1xf32, #tpu.memory_space<vmem>>) attributes {dimension_semantics = [#tpu.dimension_semantics<arbitrary>], iteration_bounds = array<i64: 2>, scalar_prefetch = 0 : i64, scratch_operands = 0 : i64, tpu.core_type = #tpu.core_type<tc>, window_params = [{transform_indices = @transform_0, window_bounds = array<i64: 8192, 256>}, {pipeline_mode = #tpu.pipeline_mode<synchronous>, transform_indices = @transform_1, window_bounds = array<i64: 256, 64>}, {pipeline_mode = #tpu.pipeline_mode<synchronous>, transform_indices = @transform_2, window_bounds = array<i64: 1, 64>}, {pipeline_mode = #tpu.pipeline_mode<synchronous>, transform_indices = @transform_3, window_bounds = array<i64: 64, 32>}, {pipeline_mode = #tpu.pipeline_mode<synchronous>, transform_indices = @transform_4, window_bounds = array<i64: 1, 32>}, {pipeline_mode = #tpu.pipeline_mode<synchronous>, transform_indices = @transform_5, window_bounds = array<i64: 32, 1>}, {pipeline_mode = #tpu.pipeline_mode<synchronous>, transform_indices = @transform_6, window_bounds = array<i64: 1, 1>}, {transform_indices = @transform_7, window_bounds = array<i64: 8192, 1>}]} {
    %get3A = arith.constant 0 : index
    %get3A_0 = arith.constant 0 : index
    %get3A_1 = vector.load %arg1[%get3A, %get3A_0] : memref<8192x256xbf16, #tpu.memory_space<vmem>>, vector<8192x256xbf16>
    %get3A_2 = arith.constant 0 : index
    %get3A_3 = arith.constant 0 : index
    %get3A_4 = vector.load %arg2[%get3A_2, %get3A_3] : memref<256x64xbf16, #tpu.memory_space<vmem>>, vector<256x64xbf16>
    %dot_general3A = arith.constant dense<0.000000e+00> : vector<8192x64xf32>
    %dot_general3A_5 = tpu.matmul %get3A_1, %get3A_4, %dot_general3A {dimension_numbers = #tpu.dot_dimension_numbers<[1], [0], [0], [1], [0, 0, 1, 1], [], []>, transpose_lhs_hint = false} : vector<8192x256xbf16>, vector<256x64xbf16>, vector<8192x64xf32> -> vector<8192x64xf32>
    %get3A_6 = arith.constant 0 : index
    %get3A_7 = arith.constant 0 : index
    %get3A_8 = vector.load %arg3[%get3A_6, %get3A_7] : memref<1x64xf32, #tpu.memory_space<vmem>>, vector<1x64xf32>
    %add3A = vector.broadcast %get3A_8 : vector<1x64xf32> to vector<8192x64xf32>
    %add3A_9 = arith.addf %dot_general3A_5, %add3A : vector<8192x64xf32>
    %max3A = arith.constant 0.000000e+00 : f32
    %max3A_10 = vector.broadcast %max3A : f32 to vector<8192x64xf32>
    %max3A_11 = arith.maximumf %add3A_9, %max3A_10 : vector<8192x64xf32>
    %get3A_12 = arith.constant 0 : index
    %get3A_13 = arith.constant 0 : index
    %get3A_14 = vector.load %arg4[%get3A_12, %get3A_13] : memref<64x32xf32, #tpu.memory_space<vmem>>, vector<64x32xf32>
    %dot_general3A_15 = arith.constant dense<0.000000e+00> : vector<8192x32xf32>
    %dot_general3A_16 = tpu.matmul %max3A_11, %get3A_14, %dot_general3A_15 {dimension_numbers = #tpu.dot_dimension_numbers<[1], [0], [0], [1], [0, 0, 1, 1], [], []>, transpose_lhs_hint = false} : vector<8192x64xf32>, vector<64x32xf32>, vector<8192x32xf32> -> vector<8192x32xf32>
    %get3A_17 = arith.constant 0 : index
    %get3A_18 = arith.constant 0 : index
    %get3A_19 = vector.load %arg5[%get3A_17, %get3A_18] : memref<1x32xf32, #tpu.memory_space<vmem>>, vector<1x32xf32>
    %add3A_20 = vector.broadcast %get3A_19 : vector<1x32xf32> to vector<8192x32xf32>
    %add3A_21 = arith.addf %dot_general3A_16, %add3A_20 : vector<8192x32xf32>
    %max3A_22 = arith.constant 0.000000e+00 : f32
    %max3A_23 = vector.broadcast %max3A_22 : f32 to vector<8192x32xf32>
    %max3A_24 = arith.maximumf %add3A_21, %max3A_23 : vector<8192x32xf32>
    %get3A_25 = arith.constant 0 : index
    %get3A_26 = arith.constant 0 : index
    %get3A_27 = vector.load %arg6[%get3A_25, %get3A_26] : memref<32x1xf32, #tpu.memory_space<vmem>>, vector<32x1xf32>
    %dot_general3A_28 = arith.constant dense<0.000000e+00> : vector<8192x1xf32>
    %dot_general3A_29 = tpu.matmul %max3A_24, %get3A_27, %dot_general3A_28 {dimension_numbers = #tpu.dot_dimension_numbers<[1], [0], [0], [1], [0, 0, 1, 1], [], []>, transpose_lhs_hint = false} : vector<8192x32xf32>, vector<32x1xf32>, vector<8192x1xf32> -> vector<8192x1xf32>
    %get3A_30 = arith.constant 0 : index
    %get3A_31 = arith.constant 0 : index
    %get3A_32 = vector.load %arg7[%get3A_30, %get3A_31] : memref<1x1xf32, #tpu.memory_space<vmem>>, vector<1x1xf32>
    %add3A_33 = vector.broadcast %get3A_32 : vector<1x1xf32> to vector<8192x1xf32>
    %add3A_34 = arith.addf %dot_general3A_29, %add3A_33 : vector<8192x1xf32>
    %max3A_35 = arith.constant 0.000000e+00 : f32
    %max3A_36 = vector.broadcast %max3A_35 : f32 to vector<8192x1xf32>
    %max3A_37 = arith.maximumf %add3A_34, %max3A_36 : vector<8192x1xf32>
    %swap3A = arith.constant 0 : index
    %swap3A_38 = arith.constant 0 : index
    %swap3A_39 = vector.load %arg8[%swap3A, %swap3A_38] : memref<8192x1xf32, #tpu.memory_space<vmem>>, vector<8192x1xf32>
    tpu.vector_store %arg8[%swap3A, %swap3A_38], %max3A_37 {strides = array<i32>} : memref<8192x1xf32, #tpu.memory_space<vmem>>, vector<8192x1xf32>,
    return
  }
  func.func @transform_0(%arg0: i32) -> (i32, i32) {
    %c0_i32 = arith.constant 0 : i32
    %c0_i32_0 = arith.constant 0 : i32
    return %arg0, %c0_i32 : i32, i32
  }
  func.func @transform_1(%arg0: i32) -> (i32, i32) {
    %c0_i32 = arith.constant 0 : i32
    %c0_i32_0 = arith.constant 0 : i32
    %c0_i32_1 = arith.constant 0 : i32
    return %c0_i32, %c0_i32_0 : i32, i32
  }
  func.func @transform_2(%arg0: i32) -> (i32, i32) {
    %c0_i32 = arith.constant 0 : i32
    %c0_i32_0 = arith.constant 0 : i32
    %c0_i32_1 = arith.constant 0 : i32
    return %c0_i32, %c0_i32_0 : i32, i32
  }
  func.func @transform_3(%arg0: i32) -> (i32, i32) {
    %c0_i32 = arith.constant 0 : i32
    %c0_i32_0 = arith.constant 0 : i32
    %c0_i32_1 = arith.constant 0 : i32
    return %c0_i32, %c0_i32_0 : i32, i32
  }
  func.func @transform_4(%arg0: i32) -> (i32, i32) {
    %c0_i32 = arith.constant 0 : i32
    %c0_i32_0 = arith.constant 0 : i32
    %c0_i32_1 = arith.constant 0 : i32
    return %c0_i32, %c0_i32_0 : i32, i32
  }
  func.func @transform_5(%arg0: i32) -> (i32, i32) {
    %c0_i32 = arith.constant 0 : i32
    %c0_i32_0 = arith.constant 0 : i32
    %c0_i32_1 = arith.constant 0 : i32
    return %c0_i32, %c0_i32_0 : i32, i32
  }
  func.func @transform_6(%arg0: i32) -> (i32, i32) {
    %c0_i32 = arith.constant 0 : i32
    %c0_i32_0 = arith.constant 0 : i32
    %c0_i32_1 = arith.constant 0 : i32
    return %c0_i32, %c0_i32_0 : i32, i32
  }
  func.func @transform_7(%arg0: i32) -> (i32, i32) {
    %c0_i32 = arith.constant 0 : i32
    %c0_i32_0 = arith.constant 0 : i32
    return %arg0, %c0_i32 : i32, i32
  }
}

</mosaic_0001>

<sc_bundles>
// kernel: kernel.4.cloned.1.call-start
scs
__scs_entry_jumppad:
0x0: {  	(pc) =	sbr.rel $0x88, $3  }
0x1: {  	(tag) =	ssettag $0x0;
	lr =	simm.s32 $0x1  }
0x2: {  	[smem:$0x3F97] =	sst lr;
	_ =	strace $0xD0000000  }
0x3: {  	_ = 	snop  }
0x4: {  	_ = 	snop  }
0x5: {  	_ = 	snop  }
0x6: {  	_ = 	snop  }
0x7: {  	_ = 	snop  }
__scs_overlays_trampoline_lowered:
0x8: {  	[smem:$0x3FA6] =	sst s0  }
0x9: {  	[smem:$0x3FA7] =	sst s1  }
0xa: {  	[smem:$0x3FA8] =	sst s2  }
0xb: {  	[smem:$0x3FA9] =	sst s3  }
0xc: {  	[smem:$0x3FAA] =	sst s4  }
0xd: {  	[smem:$0x3FAB] =	sst s5  }
0xe: {  	[smem:$0x3FAC] =	sst s6  }
0xf: {  	[smem:$0x3FAD] =	sst s7  }
0x10: {  	[smem:$0x3FAE] =	sst s8  }
0x11: {  	[smem:$0x3FAF] =	sst s9;
	s0 =	simm.s32 @!p0 $0x0  }
0x12: {  	s1 =	sld [smem:$0x3F95];
	s0 =	simm.s32 @p0 $0x1  }
0x13: {  	[smem:$0x3FB0] =	sst s0;
	s0 =	simm.s32 @!p1 $0x0  }
0x14: {  	s2 =	sld [smem:$0x3F94];
	s0 =	simm.s32 @p1 $0x1  }
0x15: {  	[smem:$0x3FB1] =	sst s0;
	s0 =	simm.s32 @!p2 $0x0  }
0x16: {  	s3 =	sld [smem:$0x3FDB];
	s0 =	simm.s32 @p2 $0x1  }
0x17: {  	s4 =	simm.s32 $0x1BF5;
	[smem:$0x3FB3] =	sst s0  }
0x18: {  	s0 =	sld [smem:$0x3F96];
	_ =	swait.ge [sflag:s4], $0x0  }
0x19: {  	s7 =	sld [smem:$0x3F97]  }
0x1a: {  	s8 =	sadd.s32 $0xFFFFE003, lr  }
0x1b: {  	s9 =	sadd.s32 $0xFFFFFEF7, lr;
	s5 =	simm.s32 $0xFFFFFFFF;
	p2 =	slt.u32 s8, $0xFFFFF086  }
0x1c: {  	p1 =	slt.u32 s9, $0xF7A;
	s5 =	simm.s32 @!p2 $0x0  }
0x1d: {  	s5 =	simm.s32 @p1 $0x1;
	p0 =	seq.s32 s7, s2  }
0x1e: {  	s7 =	smul.u32 @!p0 $0xF7A, s2;
	p2 =	seq.s32 @!p0 s5, $0x0  }
0x1f: {  	s9 =	smul.u32 $0xF7A, s1;
	s8 =	simm.s32 @!p0 $0x1BF5;
	p2 =	por !p2, p0  }
0x20: {  	[sflag:s8] =	ssyncset.s32 @!p0 $0xFFFFF086;
	s6 =	sadd.s32 @!p0 s3, s7;
	s7 =	simm.s32 @!p0 $0x108  }
0x21: {  	s3 =	sadd.s32 s3, s9;
	s6 =	sadd.s32 @!p0 $0x88, s6;
	s7 =	simm.s32 @p2 $0x1082  }
0x22: {  	[simem:s7], [sflag:s8] =	dma.local @!p0 [hbm:s6], $0xF7A  }
0x23: {  	s9 =	sor.u32 $0xD0000000, s2;
	s6 =	simm.s32 $0x108;
	_ =	swait.ge @!p0 [sflag:s8], $0x0  }
0x24: {  	s3 =	sadd.s32 $0x88, s3;
	s6 =	simm.s32 @!p1 $0x1082;
	[sflag:s4] =	ssyncset.s32 $0xFFFFF086  }
0x25: {  	[simem:s6], [sflag:s4] =	dma.local [hbm:s3], $0xF7A  }
0x26: {  	[smem:$0x3F97] =	sst s1;
	(tag) =	ssettag s2;
	_ =	strace s9  }
0x27: {  	s1 =	sld [smem:$0x3FA7]  }
0x28: {  	s2 =	sld [smem:$0x3FA8]  }
0x29: {  	s4 =	sld [smem:$0x3FAA]  }
0x2a: {  	p0 =	seq.s32 s5, $0x0;
	s5 =	sld [smem:$0x3FAB]  }
0x2b: {  	s6 =	sld [smem:$0x3FAC]  }
0x2c: {  	s7 =	sld [smem:$0x3FAD]  }
0x2d: {  	s3 =	simm.s32 $0x108;
	s8 =	sld [smem:$0x3FAE]  }
0x2e: {  	s3 =	simm.s32 @!p0 $0x1082;
	s9 =	sld [smem:$0x3FAF]  }
0x2f: {  	lr =	sadd.s32 s0, s3;
	s0 =	sld [smem:$0x3FA6]  }
0x30: {  	s3 =	sld [smem:$0x3FA9]  }
0x31: {  	[smem:$0x3FB2] =	sst s10  }
0x32: {  	s10 =	sld [smem:$0x3FB0];
	_ =	sdelay $0x3  }
0x33: {  	p0 =	seq.s32 s10, $0x1;
	s10 =	sld [smem:$0x3FB2];
	_ =	sdelay $0x3  }
0x34: {  	[smem:$0x3FB2] =	sst s10  }
0x35: {  	s10 =	sld [smem:$0x3FB1];
	_ =	sdelay $0x3  }
0x36: {  	p1 =	seq.s32 s10, $0x1;
	s10 =	sld [smem:$0x3FB2];
	_ =	sdelay $0x3  }
0x37: {  	[smem:$0x3FB2] =	sst s10  }
0x38: {  	s10 =	sld [smem:$0x3FB3]  }
0x39: {  	_ = 	snop;
	(pc) =	sbr.ind lr, $3  }
0x3a: {  	_ = 	snop  }
0x3b: {  	_ = 	snop  }
0x3c: {  	p2 =	seq.s32 s10, $0x1;
	s10 =	sld [smem:$0x3FB2]  }
0x3d: {  	_ =	shalt  }
0x3e: {  	_ =	shalt  }
0x3f: {  	_ =	shalt  }
0x40: {  	_ =	shalt  }
0x41: {  	_ =	shalt  }
0x42: {  	_ =	shalt  }
0x43: {  	_ =	shalt  }
0x44: {  	_ =	shalt  }
0x45: {  	_ =	shalt  }
0x46: {  	_ =	shalt  }
0x47: {  	_ =	shalt  }
0x48: {  	_ =	shalt  }
0x49: {  	_ =	shalt  }
0x4a: {  	_ =	shalt  }
0x4b: {  	_ =	shalt  }
0x4c: {  	_ =	shalt  }
0x4d: {  	_ =	shalt  }
0x4e: {  	_ =	shalt  }
0x4f: {  	_ =	shalt  }
0x50: {  	_ =	shalt  }
0x51: {  	_ =	shalt  }
0x52: {  	_ =	shalt  }
0x53: {  	_ =	shalt  }
0x54: {  	_ =	shalt  }
0x55: {  	_ =	shalt  }
0x56: {  	_ =	shalt  }
0x57: {  	_ =	shalt  }
0x58: {  	_ =	shalt  }
0x59: {  	_ =	shalt  }
0x5a: {  	_ =	shalt  }
0x5b: {  	_ =	shalt  }
0x5c: {  	_ =	shalt  }
0x5d: {  	_ =	shalt  }
0x5e: {  	_ =	shalt  }
0x5f: {  	_ =	shalt  }
0x60: {  	_ =	shalt  }
0x61: {  	_ =	shalt  }
0x62: {  	_ =	shalt  }
0x63: {  	_ =	shalt  }
0x64: {  	_ =	shalt  }
0x65: {  	_ =	shalt  }
0x66: {  	_ =	shalt  }
0x67: {  	_ =	shalt  }
0x68: {  	_ =	shalt  }
0x69: {  	_ =	shalt  }
0x6a: {  	_ =	shalt  }
0x6b: {  	_ =	shalt  }
0x6c: {  	_ =	shalt  }
0x6d: {  	_ =	shalt  }
0x6e: {  	_ =	shalt  }
0x6f: {  	_ =	shalt  }
0x70: {  	_ =	shalt  }
0x71: {  	_ =	shalt  }
0x72: {  	_ =	shalt  }
0x73: {  	_ =	shalt  }
0x74: {  	_ =	shalt  }
0x75: {  	_ =	shalt  }
0x76: {  	_ =	shalt  }
0x77: {  	_ =	shalt  }
0x78: {  	_ =	shalt  }
0x79: {  	_ =	shalt  }
0x7a: {  	_ =	shalt  }
0x7b: {  	_ =	shalt  }
0x7c: {  	_ =	shalt  }
0x7d: {  	_ =	shalt  }
0x7e: {  	_ =	shalt  }
0x7f: {  	_ =	shalt  }
0x80: {  	_ =	shalt  }
0x81: {  	_ =	shalt  }
0x82: {  	_ =	shalt  }
0x83: {  	_ =	shalt  }
0x84: {  	_ =	shalt  }
0x85: {  	_ =	shalt  }
0x86: {  	_ =	shalt  }
0x87: {  	_ =	shalt  }
.Lfunc_end0:
.L_simem_size_0:
called_computation_lowered:
.L_overlay_start_0:
0x88: {  	s2 =	sld [smem:$0x3FD9]  }
0x89: {  	s3 =	sld [smem:$0x3FFE];
	_ =	sdelay $0x1  }
0x8a: {  	s1 =	srdreg.scid  }
0x8b: {  	s0 =	sand.u32 $0x1, s1  }
0x8c: {  	s17 =	sshll.u32 s0, $0xA;
	s2 =	sadd.s32 s3, s2  }
0x8d: {  	s2 =	sadd.s32 s2, s17  }
0x8e: {  	[smem:$0x3FBE] =	sst s2  }
0x8f: {  	_ = 	snop  }
0x90: {  	s2 =	sld [smem:$0x3FC9]  }
0x91: {  	s18 =	sld [smem:$0x3FC8]  }
0x92: {  	s4 =	sld [smem:$0x3FC7]  }
0x93: {  	s5 =	sld [smem:$0x3FC6];
	(tm) =	ssettm $0x1  }
0x94: {  	s6 =	sld [smem:$0x3FFB];
	_ =	sdelay $0x3  }
0x95: {  	_ =	strace s6  }
0x96: {  	s6 =	sld [smem:$0x3FFC];
	_ =	sdelay $0x3  }
0x97: {  	_ =	strace s6  }
0x98: {  	s6 =	sld [smem:$0x3FFD];
	_ =	sdelay $0x3  }
0x99: {  	_ =	strace s6  }
0x9a: {  	_ =	strace $0x8FFFFFFF  }
0x9b: {  	s19 =	sld [smem:$0x3FDB];
	_ =	sdelay $0x1  }
0x9c: {  	s7 =	simm.s32 $_scs_section_size  }
0x9d: {  	s8 =	simm.s32 $_size__tile_overlayer_lowered;
	s9 =	simm.s32 $_tile_overlayer_lowered  }
0x9e: {  	s22 =	simm.s32 $0x1BFF;
	s21 =	sshll.u32 s9, $0x1;
	s6 =	sadd.s32 s7, s19  }
0x9f: {  	s10 =	simm.s32 $0x0;
	s20 =	sshll.u32 s8, $0x1;
	s8 =	sadd.s32 s21, s6  }
0xa0: {  	[timem:s10], [sflag:s22] =	dma.local [hbm:s8], s20  }
0xa1: {  	_ =	swait.ge [sflag:s22], s20  }
0xa2: {  	s7 =	ssub.s32 $0x0, s20;
	[sflag:s22] =	ssyncset.done $0x0  }
0xa3: {  	[sflag:s22] =	ssyncadd.s32 s7;
	_ =	sdelay $0x1  }
0xa4: {  	s23 =	simm.s32 $0x1B8B  }
0xa5: {  	_ =	swait.ge [sflag:s23], $0x1  }
0xa6: {  	[sflag:s23] =	ssyncset.done $0x0  }
0xa7: {  	s25 =	simm.s32 $0x1B8E;
	s24 =	sld [smem:$0x3FFE];
	[sflag:s23] =	ssyncadd.s32 $0xFFFFFFFF  }
0xa8: {  	s26 =	simm.s32 $execute0_lowered;
	[smem:$0x3FD2] =	sst s25  }
0xa9: {  	s8 =	sshll.u32 s26, $0x1;
	_ =	strace $0x80000046;
	[dreg:$0x1] =	wrdreg $0xFFFFFFFF  }
0xaa: {  	s28 =	simm.s32 $_size_execute0_lowered;
	s6 =	sadd.s32 s6, s8;
	[dreg:$0x0] =	wrdreg $0x0  }
0xab: {  	s8 =	sshll.u32 s28, $0x1;
	[dreg:$0x2] =	wrdreg s6  }
0xac: {  	[dreg:$0x3] =	wrdreg s8  }
0xad: {  	[dreg:$0x4] =	wrdreg $0xC0  }
0xae: {  	_ =	task [dreg:s10], $0x5FFFF  }
0xaf: {  	[dreg:$0x1] =	wrdreg $0xFFFFFFFF  }
0xb0: {  	[dreg:$0x0] =	wrdreg $0x60  }
0xb1: {  	[dreg:$0x2] =	wrdreg s2  }
0xb2: {  	[dreg:$0x3] =	wrdreg s18  }
0xb3: {  	[dreg:$0x4] =	wrdreg s4  }
0xb4: {  	[dreg:$0x5] =	wrdreg s5  }
0xb5: {  	[dreg:$0x6] =	wrdreg s24  }
0xb6: {  	[dreg:$0x7] =	wrdreg $0x9  }
0xb7: {  	_ =	task.clear_ibuf [dreg:s10], $0x8FFFF;
	_ =	strace $0x90000046  }
0xb8: {  	s29 =	simm.s32 $0x9;
	_ =	strace $0x80000048  }
0xb9: {  	_ =	swait.ge [sflag:s29], $0x1  }
0xba: {  	[sflag:s29] =	ssyncadd.s32 $0xFFFFFFFF  }
0xbb: {  	_ =	strace $0x90000048  }
0xbc: {  	_ =	sfence  }
0xbd: {  	s30 =	sld [smem:$0x0];
	_ =	sdelay $0x2  }
0xbe: {  	s31 =	sshll.u32 s1, $0xD;
	s1 =	sshrl.u32 s1, $0x2  }
0xbf: {  	s3 =	sand.u32 $0x4000, s31;
	s1 =	sadd.s32 s1, s30  }
0xc0: {  	s0 =	sor.u32 s3, s0;
	s1 =	sshll.u32 s1, $0x11  }
0xc1: {  	s0 =	sor.u32 s1, s0  }
0xc2: {  	s0 =	sadd.s32 $0x8F2B, s0  }
0xc3: {  	[sflag:s0] =	ssyncadd.remote.s32 $0x1  }
0xc4: {  	_ =	sfence.sel $0xFFFF  }
0xc5: {  	[dreg:$0x0] =	wrdreg $0xFFFFFFFF;
	(pc) =	sbr.abs _section_cstart, $3  }
0xc6: {  	[dreg:$0x1] =	wrdreg $0xFFFFFFFF  }
0xc7: {  	_ =	task.clear_ibuf [dreg:s10], $0x2FFFF;
	_ =	strace $0x9FFFFFFF  }
0xc8: {  	(tm) =	ssettm $0x7FFFFFFF  }
0xc9: {  	_ =	shalt  }
tec
execute0_lowered:
.L_overlay_start_1:
0x0: {  	(tag) =	ssettag $0x1  }
0x1: {  	s0 =	rddreg [dreg:$0x0]  }
0x2: {  	s1 =	rddreg [dreg:$0x1]  }
0x3: {  	s3 =	rddreg [dreg:$0x2]  }
0x4: {  	s4 =	srdreg.scid;
	s2 =	rddreg [dreg:$0x3]  }
0x5: {  	s6 =	stileid.u32;
	s5 =	rddreg [dreg:$0x4]  }
0x6: {  	s16 =	simm.s32 $0x0;
	s31 =	simm.s32 $0x5;
	s13 =	simm.s32 $0x80  }
0x7: {  	s8 =	simm.s32 $0x400;
	s12 =	simm.s32 $0x1;
	s29 =	simm.s32 $0x100  }
0x8: {  	s30 =	simm.s32 $0x8400;
	s11 =	simm.s32 $0x2;
	s26 =	simm.s32 $0x180  }
0x9: {  	s28 =	simm.s32 $0xA400;
	s25 =	simm.s32 $0xC400;
	s23 =	simm.s32 $0x280  }
0xa: {  	s24 =	simm.s32 $0xE400;
	p0 =	por $0x0, $0x0;
	s4 =	sand.u32 $0x1, s4  }
0xb: {  	s6 =	sshll.u32 s6, $0xA;
	[smem:$0x7FF] =	sst s16;
	s7 =	sshll.u32 s4, $0x9  }
0xc: {  	s14 =	simm.s32 $0x3;
	_ =	strace $0x80000047;
	s6 =	sor.u32 s7, s6  }
0xd: {  	s19 =	ssub.s32 $0x2, s4;
	s7 =	sshrl.u32 s6, $0x3;
	s6 =	sshll.u32 s6, $0x4  }
0xe: {  	s4 =	sshrl.u32 s19, $0x1;
	s0 =	sadd.s32 s0, s7;
	s5 =	sadd.s32 s6, s5  }
0xf: {  	s15 =	sadd.s32 s1, s7;
	s1 =	ssub.s32 s19, s4;
	[dreg:$0x6] =	wrdreg s0  }
0x10: {  	s7 =	simm.s32 $0x200;
	s19 =	simm.s32 $0x300;
	[dreg:$0x7] =	wrdreg s15  }
0x11: {  	s17 =	sadd.s32 $0xE00, s5;
	s18 =	sadd.s32 $0x1600, s5;
	s20 =	sadd.s32 $0x1E00, s5  }
0x12: {  	s21 =	sadd.s32 $0x2600, s5;
	s10 =	sadd.s32 $0xE40, s5;
	s22 =	smax.u32 s1, $0x1  }
0x13: {  	s9 =	sadd.s32 $0x1640, s5;
	[dreg:$0x8] =	wrdreg s17;
	p1 =	sne.s32 s22, $0x1  }
.Ltmp0:
0x14: {  	s6 =	sadd.s32 $0x1E40, s5;
	[dreg:$0x9] =	wrdreg s18;
	(pc) =	sbr.rel @!p1 .LBB2_3-.Ltmp0, $4  }
0x15: {  	s4 =	sadd.s32 $0x2640, s5;
	s15 =	simm.s32 $0x4400;
	[dreg:$0xa] =	wrdreg s20  }
0x16: {  	s5 =	simm.s32 $0x4;
	[dreg:$0xb] =	wrdreg s21;
	s20 =	simm.s32 $0x10400  }
0x17: {  	s1 =	sadd.s32 $0xFFFFFFFF, s22;
	s21 =	simm.s32 $0x380;
	s22 =	simm.s32 $0x12400  }
0x18: {  	s18 =	simm.s32 $0x14400;
	s17 =	simm.s32 $0x16400;
	s0 =	rddreg [dreg:$0x6]  }
0x19: {  	[tilespmem:s16], [sflag:$0x5] =	stream.linear.gather [hbm4b:s0+s16], $0x200, $0x38;
	[tilespmem:$0x18400] =	vst v63  }
0x1a: {  	_ =	swait.ge [sflag:s31], $0x200  }
0x1b: {  	[sflag:s31] =	ssyncset.done $0x0  }
0x1c: {  	s0 =	rddreg [dreg:$0x7];
	[sflag:s31] =	ssyncadd.s32 $0xFFFFFE00  }
0x1d: {  	[tilespmem:s7], [sflag:$0x5] =	stream.linear.gather [hbm4b:s0+s16], $0x200, $0x38;
	[tilespmem:$0x18400] =	vst v63  }
0x1e: {  	_ =	swait.ge [sflag:s31], $0x200  }
0x1f: {  	[sflag:s31] =	ssyncset.done $0x0  }
0x20: {  	[sflag:s31] =	ssyncadd.s32 $0xFFFFFE00  }
0x21: {  	[tilespmem:s8], [sflag:$0x1] =	stream.indirect.gather [hbm4b:s3+s13], $0x80, s16, s13, $0xb8;
	[tilespmem:$0x18400] =	vst v63  }
0x22: {  	_ = 	snop  }
0x23: {  	[tilespmem:s15], [sflag:$0x2] =	stream.indirect.gather [hbm4b:s3+s13], $0x80, s13, s13, $0xb8;
	[tilespmem:$0x18400] =	vst v63  }
0x24: {  	_ =	swait.ge [sflag:s12], $0x4000  }
0x25: {  	[sflag:s12] =	ssyncset.done $0x0  }
0x26: {  	[sflag:s12] =	ssyncadd.s32 $0xFFFFC000  }
0x27: {  	[tilespmem:s8], [sflag:$0x1] =	stream.indirect.gather [hbm4b:s3+s13], $0x80, s29, s13, $0xb8;
	[tilespmem:$0x18400] =	vst v63  }
0x28: {  	s0 =	rddreg [dreg:$0x8]  }
0x29: {  	[hbm4b:s0+s7] =	stream.strided.scatter [tilespmem:s30], [sflag:$0x3], $0x2000, s8, s7, $0x38;
	[tilespmem:$0x18400] =	vst v63  }
0x2a: {  	_ =	swait.ge [sflag:s11], $0x4000  }
0x2b: {  	[sflag:s11] =	ssyncset.done $0x0  }
0x2c: {  	[sflag:s11] =	ssyncadd.s32 $0xFFFFC000  }
0x2d: {  	[tilespmem:s15], [sflag:$0x2] =	stream.indirect.gather [hbm4b:s3+s13], $0x80, s26, s13, $0xb8;
	[tilespmem:$0x18400] =	vst v63  }
0x2e: {  	s0 =	rddreg [dreg:$0x9]  }
0x2f: {  	[hbm4b:s0+s7] =	stream.strided.scatter [tilespmem:s28], [sflag:$0x3], $0x2000, s8, s7, $0x38;
	[tilespmem:$0x18400] =	vst v63  }
0x30: {  	_ =	swait.ge [sflag:s12], $0x4000  }
0x31: {  	[sflag:s12] =	ssyncset.done $0x0  }
0x32: {  	[sflag:s12] =	ssyncadd.s32 $0xFFFFC000  }
0x33: {  	[tilespmem:s8], [sflag:$0x1] =	stream.indirect.gather [hbm4b:s2+s13], $0x80, s7, s13, $0xb8;
	[tilespmem:$0x18400] =	vst v63  }
0x34: {  	s0 =	rddreg [dreg:$0xa]  }
0x35: {  	[hbm4b:s0+s7] =	stream.strided.scatter [tilespmem:s25], [sflag:$0x3], $0x2000, s8, s7, $0x38;
	[tilespmem:$0x18400] =	vst v63  }
0x36: {  	_ =	swait.ge [sflag:s11], $0x4000  }
0x37: {  	[sflag:s11] =	ssyncset.done $0x0  }
0x38: {  	[sflag:s11] =	ssyncadd.s32 $0xFFFFC000  }
0x39: {  	[tilespmem:s15], [sflag:$0x2] =	stream.indirect.gather [hbm4b:s2+s13], $0x80, s23, s13, $0xb8;
	[tilespmem:$0x18400] =	vst v63  }
0x3a: {  	s0 =	rddreg [dreg:$0xb]  }
0x3b: {  	[hbm4b:s0+s7] =	stream.strided.scatter [tilespmem:s24], [sflag:$0x3], $0x2000, s8, s7, $0x38;
	[tilespmem:$0x18400] =	vst v63  }
0x3c: {  	_ =	swait.ge [sflag:s12], $0x4000  }
0x3d: {  	[sflag:s12] =	ssyncset.done $0x0  }
0x3e: {  	[sflag:s12] =	ssyncadd.s32 $0xFFFFC000  }
0x3f: {  	[tilespmem:s8], [sflag:$0x1] =	stream.indirect.gather [hbm4b:s2+s13], $0x80, s19, s13, $0xb8;
	[tilespmem:$0x18400] =	vst v63  }
0x40: {  	_ = 	snop  }
0x41: {  	[hbm4b:s10+s7] =	stream.strided.scatter [tilespmem:s20], [sflag:$0x4], $0x2000, s8, s7, $0x38;
	[tilespmem:$0x18400] =	vst v63  }
0x42: {  	_ =	swait.ge [sflag:s11], $0x4000  }
0x43: {  	[sflag:s11] =	ssyncset.done $0x0  }
0x44: {  	[sflag:s11] =	ssyncadd.s32 $0xFFFFC000  }
0x45: {  	[tilespmem:s15], [sflag:$0x2] =	stream.indirect.gather [hbm4b:s2+s13], $0x80, s21, s13, $0xb8;
	[tilespmem:$0x18400] =	vst v63  }
0x46: {  	_ = 	snop  }
0x47: {  	[hbm4b:s9+s7] =	stream.strided.scatter [tilespmem:s22], [sflag:$0x4], $0x2000, s8, s7, $0x38;
	[tilespmem:$0x18400] =	vst v63  }
0x48: {  	_ =	swait.ge [sflag:s12], $0x4000  }
0x49: {  	[sflag:s12] =	ssyncset.done $0x0  }
0x4a: {  	[sflag:s12] =	ssyncadd.s32 $0xFFFFC000  }
0x4b: {  	[hbm4b:s6+s7] =	stream.strided.scatter [tilespmem:s18], [sflag:$0x4], $0x2000, s8, s7, $0x38;
	[tilespmem:$0x18400] =	vst v63  }
0x4c: {  	_ =	swait.ge [sflag:s11], $0x4000  }
0x4d: {  	[sflag:s11] =	ssyncset.done $0x0  }
0x4e: {  	[sflag:s11] =	ssyncadd.s32 $0xFFFFC000  }
0x4f: {  	[hbm4b:s4+s7] =	stream.strided.scatter [tilespmem:s17], [sflag:$0x4], $0x2000, s8, s7, $0x38;
	[tilespmem:$0x18400] =	vst v63  }
0x50: {  	_ =	swait.ge [sflag:s14], $0x2000  }
0x51: {  	[sflag:s14] =	ssyncset.done $0x0  }
0x52: {  	[sflag:s14] =	ssyncadd.s32 $0xFFFFE000  }
0x53: {  	_ =	swait.ge [sflag:s14], $0x2000  }
0x54: {  	[sflag:s14] =	ssyncset.done $0x0  }
0x55: {  	[sflag:s14] =	ssyncadd.s32 $0xFFFFE000  }
0x56: {  	_ =	swait.ge [sflag:s14], $0x2000  }
0x57: {  	[sflag:s14] =	ssyncset.done $0x0  }
0x58: {  	[sflag:s14] =	ssyncadd.s32 $0xFFFFE000  }
0x59: {  	_ =	swait.ge [sflag:s14], $0x2000  }
0x5a: {  	[sflag:s14] =	ssyncset.done $0x0  }
0x5b: {  	[sflag:s14] =	ssyncadd.s32 $0xFFFFE000  }
0x5c: {  	_ =	swait.ge [sflag:s5], $0x2000  }
0x5d: {  	[sflag:s5] =	ssyncset.done $0x0  }
0x5e: {  	[sflag:s5] =	ssyncadd.s32 $0xFFFFE000  }
0x5f: {  	_ =	swait.ge [sflag:s5], $0x2000  }
0x60: {  	[sflag:s5] =	ssyncset.done $0x0  }
0x61: {  	p1 =	sne.s32 s1, $0x1;
	[sflag:s5] =	ssyncadd.s32 $0xFFFFE000  }
.Ltmp1:
0x62: {  	_ =	swait.ge [sflag:s5], $0x2000;
	(pc) =	sbr.rel @!p1 .LBB2_3-.Ltmp1, $4  }
0x63: {  	[sflag:s5] =	ssyncset.done $0x0  }
0x64: {  	[sflag:s5] =	ssyncadd.s32 $0xFFFFE000  }
0x65: {  	s1 =	sadd.s32 $0xFFFFFFFF, s1;
	_ =	swait.ge [sflag:s5], $0x2000  }
0x66: {  	p0 =	por $0x1, $0x1;
	s0 =	rddreg [dreg:$0x6];
	[sflag:s5] =	ssyncset.done $0x0  }
.LBB2_2:
0x67: {  	[sflag:s5] =	ssyncadd.s32 $0xFFFFE000  }
0x68: {  	[tilespmem:s16], [sflag:$0x5] =	stream.linear.gather [hbm4b:s0+s16], $0x200, $0x38;
	[tilespmem:$0x18400] =	vst v63  }
0x69: {  	_ =	swait.ge [sflag:s31], $0x200  }
0x6a: {  	[sflag:s31] =	ssyncset.done $0x0  }
0x6b: {  	s0 =	rddreg [dreg:$0x7];
	[sflag:s31] =	ssyncadd.s32 $0xFFFFFE00  }
0x6c: {  	[tilespmem:s7], [sflag:$0x5] =	stream.linear.gather [hbm4b:s0+s16], $0x200, $0x38;
	[tilespmem:$0x18400] =	vst v63  }
0x6d: {  	_ =	swait.ge [sflag:s31], $0x200  }
0x6e: {  	[sflag:s31] =	ssyncset.done $0x0  }
0x6f: {  	[sflag:s31] =	ssyncadd.s32 $0xFFFFFE00  }
0x70: {  	[tilespmem:s8], [sflag:$0x1] =	stream.indirect.gather [hbm4b:s3+s13], $0x80, s16, s13, $0xb8;
	[tilespmem:$0x18400] =	vst v63  }
0x71: {  	_ = 	snop  }
0x72: {  	[tilespmem:s15], [sflag:$0x2] =	stream.indirect.gather [hbm4b:s3+s13], $0x80, s13, s13, $0xb8;
	[tilespmem:$0x18400] =	vst v63  }
0x73: {  	_ =	swait.ge [sflag:s12], $0x4000  }
0x74: {  	[sflag:s12] =	ssyncset.done $0x0  }
0x75: {  	[sflag:s12] =	ssyncadd.s32 $0xFFFFC000  }
0x76: {  	[tilespmem:s8], [sflag:$0x1] =	stream.indirect.gather [hbm4b:s3+s13], $0x80, s29, s13, $0xb8;
	[tilespmem:$0x18400] =	vst v63  }
0x77: {  	s0 =	rddreg [dreg:$0x8]  }
0x78: {  	[hbm4b:s0+s7] =	stream.strided.scatter [tilespmem:s30], [sflag:$0x3], $0x2000, s8, s7, $0x38;
	[tilespmem:$0x18400] =	vst v63  }
0x79: {  	_ =	swait.ge [sflag:s11], $0x4000  }
0x7a: {  	[sflag:s11] =	ssyncset.done $0x0  }
0x7b: {  	[sflag:s11] =	ssyncadd.s32 $0xFFFFC000  }
0x7c: {  	[tilespmem:s15], [sflag:$0x2] =	stream.indirect.gather [hbm4b:s3+s13], $0x80, s26, s13, $0xb8;
	[tilespmem:$0x18400] =	vst v63  }
0x7d: {  	s0 =	rddreg [dreg:$0x9]  }
0x7e: {  	[hbm4b:s0+s7] =	stream.strided.scatter [tilespmem:s28], [sflag:$0x3], $0x2000, s8, s7, $0x38;
	[tilespmem:$0x18400] =	vst v63  }
0x7f: {  	_ =	swait.ge [sflag:s12], $0x4000  }
0x80: {  	[sflag:s12] =	ssyncset.done $0x0  }
0x81: {  	[sflag:s12] =	ssyncadd.s32 $0xFFFFC000  }
0x82: {  	[tilespmem:s8], [sflag:$0x1] =	stream.indirect.gather [hbm4b:s2+s13], $0x80, s7, s13, $0xb8;
	[tilespmem:$0x18400] =	vst v63  }
0x83: {  	s0 =	rddreg [dreg:$0xa]  }
0x84: {  	[hbm4b:s0+s7] =	stream.strided.scatter [tilespmem:s25], [sflag:$0x3], $0x2000, s8, s7, $0x38;
	[tilespmem:$0x18400] =	vst v63  }
0x85: {  	_ =	swait.ge [sflag:s11], $0x4000  }
0x86: {  	[sflag:s11] =	ssyncset.done $0x0  }
0x87: {  	[sflag:s11] =	ssyncadd.s32 $0xFFFFC000  }
0x88: {  	[tilespmem:s15], [sflag:$0x2] =	stream.indirect.gather [hbm4b:s2+s13], $0x80, s23, s13, $0xb8;
	[tilespmem:$0x18400] =	vst v63  }
0x89: {  	s0 =	rddreg [dreg:$0xb]  }
0x8a: {  	[hbm4b:s0+s7] =	stream.strided.scatter [tilespmem:s24], [sflag:$0x3], $0x2000, s8, s7, $0x38;
	[tilespmem:$0x18400] =	vst v63  }
0x8b: {  	_ =	swait.ge [sflag:s12], $0x4000  }
0x8c: {  	[sflag:s12] =	ssyncset.done $0x0  }
0x8d: {  	[sflag:s12] =	ssyncadd.s32 $0xFFFFC000  }
0x8e: {  	[tilespmem:s8], [sflag:$0x1] =	stream.indirect.gather [hbm4b:s2+s13], $0x80, s19, s13, $0xb8;
	[tilespmem:$0x18400] =	vst v63  }
0x8f: {  	_ = 	snop  }
0x90: {  	[hbm4b:s10+s7] =	stream.strided.scatter [tilespmem:s20], [sflag:$0x4], $0x2000, s8, s7, $0x38;
	[tilespmem:$0x18400] =	vst v63  }
0x91: {  	_ =	swait.ge [sflag:s11], $0x4000  }
0x92: {  	[sflag:s11] =	ssyncset.done $0x0  }
0x93: {  	[sflag:s11] =	ssyncadd.s32 $0xFFFFC000  }
0x94: {  	[tilespmem:s15], [sflag:$0x2] =	stream.indirect.gather [hbm4b:s2+s13], $0x80, s21, s13, $0xb8;
	[tilespmem:$0x18400] =	vst v63  }
0x95: {  	_ = 	snop  }
0x96: {  	[hbm4b:s9+s7] =	stream.strided.scatter [tilespmem:s22], [sflag:$0x4], $0x2000, s8, s7, $0x38;
	[tilespmem:$0x18400] =	vst v63  }
0x97: {  	_ =	swait.ge [sflag:s12], $0x4000  }
0x98: {  	[sflag:s12] =	ssyncset.done $0x0  }
0x99: {  	[sflag:s12] =	ssyncadd.s32 $0xFFFFC000  }
0x9a: {  	[hbm4b:s6+s7] =	stream.strided.scatter [tilespmem:s18], [sflag:$0x4], $0x2000, s8, s7, $0x38;
	[tilespmem:$0x18400] =	vst v63  }
0x9b: {  	_ =	swait.ge [sflag:s11], $0x4000  }
0x9c: {  	[sflag:s11] =	ssyncset.done $0x0  }
0x9d: {  	[sflag:s11] =	ssyncadd.s32 $0xFFFFC000  }
0x9e: {  	[hbm4b:s4+s7] =	stream.strided.scatter [tilespmem:s17], [sflag:$0x4], $0x2000, s8, s7, $0x38;
	[tilespmem:$0x18400] =	vst v63  }
0x9f: {  	_ =	swait.ge [sflag:s14], $0x2000  }
0xa0: {  	[sflag:s14] =	ssyncset.done $0x0  }
0xa1: {  	[sflag:s14] =	ssyncadd.s32 $0xFFFFE000  }
0xa2: {  	_ =	swait.ge [sflag:s14], $0x2000  }
0xa3: {  	[sflag:s14] =	ssyncset.done $0x0  }
0xa4: {  	[sflag:s14] =	ssyncadd.s32 $0xFFFFE000  }
0xa5: {  	_ =	swait.ge [sflag:s14], $0x2000  }
0xa6: {  	[sflag:s14] =	ssyncset.done $0x0  }
0xa7: {  	[sflag:s14] =	ssyncadd.s32 $0xFFFFE000  }
0xa8: {  	_ =	swait.ge [sflag:s14], $0x2000  }
0xa9: {  	[sflag:s14] =	ssyncset.done $0x0  }
0xaa: {  	[sflag:s14] =	ssyncadd.s32 $0xFFFFE000  }
0xab: {  	_ =	swait.ge [sflag:s5], $0x2000  }
0xac: {  	[sflag:s5] =	ssyncset.done $0x0  }
0xad: {  	[sflag:s5] =	ssyncadd.s32 $0xFFFFE000  }
0xae: {  	_ =	swait.ge [sflag:s5], $0x2000  }
0xaf: {  	[sflag:s5] =	ssyncset.done $0x0  }
0xb0: {  	p1 =	sne.s32 s1, $0x1;
	[sflag:s5] =	ssyncadd.s32 $0xFFFFE000  }
.Ltmp2:
0xb1: {  	_ =	swait.ge [sflag:s5], $0x2000;
	(pc) =	sbr.rel @p1 .LBB2_2-.Ltmp2, $4  }
0xb2: {  	[sflag:s5] =	ssyncset.done $0x0  }
0xb3: {  	[sflag:s5] =	ssyncadd.s32 $0xFFFFE000  }
0xb4: {  	_ =	swait.ge [sflag:s5], $0x2000  }
0xb5: {  	s1 =	sadd.s32 $0xFFFFFFFF, s1;
	s0 =	rddreg [dreg:$0x6];
	[sflag:s5] =	ssyncset.done $0x0  }
.LBB2_3:
0xb6: {  	[sflag:s5] =	ssyncadd.s32 @p0 $0xFFFFE000  }
0xb7: {  	[tilespmem:s16], [sflag:$0x5] =	stream.linear.gather [hbm4b:s0+s16], $0x200, $0x38;
	[tilespmem:$0x18400] =	vst v63  }
0xb8: {  	_ =	swait.ge [sflag:s31], $0x200  }
0xb9: {  	[sflag:s31] =	ssyncset.done $0x0  }
0xba: {  	s1 =	rddreg [dreg:$0x7];
	[sflag:s31] =	ssyncadd.s32 $0xFFFFFE00  }
0xbb: {  	[tilespmem:s7], [sflag:$0x5] =	stream.linear.gather [hbm4b:s1+s16], $0x200, $0x38;
	[tilespmem:$0x18400] =	vst v63  }
0xbc: {  	_ =	swait.ge [sflag:s31], $0x200  }
0xbd: {  	[sflag:s31] =	ssyncset.done $0x0  }
0xbe: {  	[sflag:s31] =	ssyncadd.s32 $0xFFFFFE00  }
0xbf: {  	[tilespmem:s8], [sflag:$0x1] =	stream.indirect.gather [hbm4b:s3+s13], $0x80, s16, s13, $0xb8;
	[tilespmem:$0x18400] =	vst v63  }
0xc0: {  	_ = 	snop  }
0xc1: {  	[tilespmem:s15], [sflag:$0x2] =	stream.indirect.gather [hbm4b:s3+s13], $0x80, s13, s13, $0xb8;
	[tilespmem:$0x18400] =	vst v63  }
0xc2: {  	_ =	swait.ge [sflag:s12], $0x4000  }
0xc3: {  	[sflag:s12] =	ssyncset.done $0x0  }
0xc4: {  	[sflag:s12] =	ssyncadd.s32 $0xFFFFC000  }
0xc5: {  	[tilespmem:s8], [sflag:$0x1] =	stream.indirect.gather [hbm4b:s3+s13], $0x80, s29, s13, $0xb8;
	[tilespmem:$0x18400] =	vst v63  }
0xc6: {  	s1 =	rddreg [dreg:$0x8]  }
0xc7: {  	[hbm4b:s1+s7] =	stream.strided.scatter [tilespmem:s30], [sflag:$0x3], $0x2000, s8, s7, $0x38;
	[tilespmem:$0x18400] =	vst v63  }
0xc8: {  	_ =	swait.ge [sflag:s11], $0x4000  }
0xc9: {  	[sflag:s11] =	ssyncset.done $0x0  }
0xca: {  	[sflag:s11] =	ssyncadd.s32 $0xFFFFC000  }
0xcb: {  	[tilespmem:s15], [sflag:$0x2] =	stream.indirect.gather [hbm4b:s3+s13], $0x80, s26, s13, $0xb8;
	[tilespmem:$0x18400] =	vst v63  }
0xcc: {  	s16 =	rddreg [dreg:$0x9]  }
0xcd: {  	[hbm4b:s16+s7] =	stream.strided.scatter [tilespmem:s28], [sflag:$0x3], $0x2000, s8, s7, $0x38;
	[tilespmem:$0x18400] =	vst v63  }
0xce: {  	_ =	swait.ge [sflag:s12], $0x4000  }
0xcf: {  	[sflag:s12] =	ssyncset.done $0x0  }
0xd0: {  	[sflag:s12] =	ssyncadd.s32 $0xFFFFC000  }
0xd1: {  	[tilespmem:s8], [sflag:$0x1] =	stream.indirect.gather [hbm4b:s2+s13], $0x80, s7, s13, $0xb8;
	[tilespmem:$0x18400] =	vst v63  }
0xd2: {  	s29 =	rddreg [dreg:$0xa]  }
0xd3: {  	[hbm4b:s29+s7] =	stream.strided.scatter [tilespmem:s25], [sflag:$0x3], $0x2000, s8, s7, $0x38;
	[tilespmem:$0x18400] =	vst v63  }
0xd4: {  	_ =	swait.ge [sflag:s11], $0x4000  }
0xd5: {  	[sflag:s11] =	ssyncset.done $0x0  }
0xd6: {  	[sflag:s11] =	ssyncadd.s32 $0xFFFFC000  }
0xd7: {  	[tilespmem:s15], [sflag:$0x2] =	stream.indirect.gather [hbm4b:s2+s13], $0x80, s23, s13, $0xb8;
	[tilespmem:$0x18400] =	vst v63  }
0xd8: {  	s30 =	rddreg [dreg:$0xb]  }
0xd9: {  	[hbm4b:s30+s7] =	stream.strided.scatter [tilespmem:s24], [sflag:$0x3], $0x2000, s8, s7, $0x38;
	[tilespmem:$0x18400] =	vst v63  }
0xda: {  	_ =	swait.ge [sflag:s12], $0x4000  }
0xdb: {  	[sflag:s12] =	ssyncset.done $0x0  }
0xdc: {  	[sflag:s12] =	ssyncadd.s32 $0xFFFFC000  }
0xdd: {  	[tilespmem:s8], [sflag:$0x1] =	stream.indirect.gather [hbm4b:s2+s13], $0x80, s19, s13, $0xb8;
	[tilespmem:$0x18400] =	vst v63  }
0xde: {  	_ = 	snop  }
0xdf: {  	[hbm4b:s10+s7] =	stream.strided.scatter [tilespmem:s20], [sflag:$0x4], $0x2000, s8, s7, $0x38;
	[tilespmem:$0x18400] =	vst v63  }
0xe0: {  	_ =	swait.ge [sflag:s11], $0x4000  }
0xe1: {  	[sflag:s11] =	ssyncset.done $0x0  }
0xe2: {  	[sflag:s11] =	ssyncadd.s32 $0xFFFFC000  }
0xe3: {  	[tilespmem:s15], [sflag:$0x2] =	stream.indirect.gather [hbm4b:s2+s13], $0x80, s21, s13, $0xb8;
	[tilespmem:$0x18400] =	vst v63  }
0xe4: {  	_ = 	snop  }
0xe5: {  	[hbm4b:s9+s7] =	stream.strided.scatter [tilespmem:s22], [sflag:$0x4], $0x2000, s8, s7, $0x38;
	[tilespmem:$0x18400] =	vst v63  }
0xe6: {  	_ =	swait.ge [sflag:s12], $0x4000  }
0xe7: {  	[sflag:s12] =	ssyncset.done $0x0  }
0xe8: {  	[sflag:s12] =	ssyncadd.s32 $0xFFFFC000  }
0xe9: {  	[hbm4b:s6+s7] =	stream.strided.scatter [tilespmem:s18], [sflag:$0x4], $0x2000, s8, s7, $0x38;
	[tilespmem:$0x18400] =	vst v63  }
0xea: {  	_ =	swait.ge [sflag:s11], $0x4000  }
0xeb: {  	[sflag:s11] =	ssyncset.done $0x0  }
0xec: {  	[sflag:s11] =	ssyncadd.s32 $0xFFFFC000  }
0xed: {  	[hbm4b:s4+s7] =	stream.strided.scatter [tilespmem:s17], [sflag:$0x4], $0x2000, s8, s7, $0x38;
	[tilespmem:$0x18400] =	vst v63  }
0xee: {  	_ =	swait.ge [sflag:s14], $0x2000  }
0xef: {  	[sflag:s14] =	ssyncset.done $0x0  }
0xf0: {  	[sflag:s14] =	ssyncadd.s32 $0xFFFFE000  }
0xf1: {  	_ =	swait.ge [sflag:s14], $0x2000  }
0xf2: {  	[sflag:s14] =	ssyncset.done $0x0  }
0xf3: {  	[sflag:s14] =	ssyncadd.s32 $0xFFFFE000  }
0xf4: {  	_ =	swait.ge [sflag:s14], $0x2000  }
0xf5: {  	[sflag:s14] =	ssyncset.done $0x0  }
0xf6: {  	[sflag:s14] =	ssyncadd.s32 $0xFFFFE000  }
0xf7: {  	_ =	swait.ge [sflag:s14], $0x2000  }
0xf8: {  	[sflag:s14] =	ssyncset.done $0x0  }
0xf9: {  	[sflag:s14] =	ssyncadd.s32 $0xFFFFE000  }
0xfa: {  	_ =	swait.ge [sflag:s5], $0x2000  }
0xfb: {  	[sflag:s5] =	ssyncset.done $0x0  }
0xfc: {  	[sflag:s5] =	ssyncadd.s32 $0xFFFFE000  }
0xfd: {  	_ =	swait.ge [sflag:s5], $0x2000  }
0xfe: {  	[sflag:s5] =	ssyncset.done $0x0  }
0xff: {  	[sflag:s5] =	ssyncadd.s32 $0xFFFFE000  }
0x100: {  	_ =	swait.ge [sflag:s5], $0x2000  }
0x101: {  	[sflag:s5] =	ssyncset.done $0x0  }
0x102: {  	[sflag:s5] =	ssyncadd.s32 $0xFFFFE000  }
0x103: {  	_ =	swait.ge [sflag:s5], $0x2000  }
0x104: {  	[sflag:s5] =	ssyncset.done $0x0  }
0x105: {  	[sflag:s5] =	ssyncadd.s32 $0xFFFFE000  }
0x106: {  	_ =	sfence.sel $0x180000  }
0x107: {  	[bflag:$0x0] =	sbarrier.arrive $0xFFFF  }
0x108: {  	_ =	strace $0x90000047  }
0x109: {  	s31 =	stileid.u32;
	[bflag:$0x2] =	sbarrier.arrive $0xFFFF  }
0x10a: {  	p0 =	sne.s32 s31, $0x0;
	s0 =	rddreg [dreg:$0x5]  }
0x10b: {  	s0 =	sadd.s32 @!p0 $0x100000, s0  }
0x10c: {  	[sflag:s0] =	ssyncadd.tile.s32 @!p0 $0x1;
	_ =	shalt  }
.Lfunc_end2:
_tile_overlayer_lowered:
.L_overlay_start_2:
0x10d: {  	(tag) =	ssettag $0x2  }
0x10e: {  	s0 =	rddreg [dreg:$0x0];
	s2 =	stileid.u32  }
0x10f: {  	s1 =	rddreg [dreg:$0x1];
	p0 =	sne.s32 s2, $0x0  }
0x110: {  	s3 =	rddreg [dreg:$0x2];
	[bflag:$0x3] =	sbarrier.arrive $0xFFFF;
	s2 =	simm.s32 @!p0 $0x1C05  }
0x111: {  	[timem:s3], [sflag:s2] =	dma.local @!p0 [hbm:s0], s1  }
0x112: {  	s0 =	simm.s32 @!p0 $0x5  }
0x113: {  	_ =	swait.ge @!p0 [sflag:s0], s1  }
0x114: {  	s1 =	ssub.s32 @!p0 $0x0, s1;
	[sflag:s0] =	ssyncset.done @!p0 $0x0  }
0x115: {  	[sflag:s0] =	ssyncadd.s32 @!p0 s1  }
0x116: {  	[bflag:$0x3] =	sbarrier.arrive $0xFFFF  }
0x117: {  	_ =	shalt  }

</sc_bundles>
